<compile_context>
chip_gen: v7x
topology: tpu7x:2x2x1
jax: 0.10.2.dev20260603
libtpu: 0.0.44.dev20260713+nightly
codegen_flags: <defaults>
</compile_context>

<pallas_src>
import functools

import jax
import jax.numpy as jnp
from jax import lax
from jax.experimental import pallas as pl
from jax.experimental.pallas import tpu as pltpu
from jax.experimental.pallas import tpu_sc as plsc

NUM_CLASSES = 19
_B, _H, _W = 16, 512, 512
_CELLS = _B * (_H // 8) * (_W // 8)
_INV_N = 1.0 / (_CELLS * NUM_CLASSES)
_NW = 32
_CELL_ROWS = _B * (_H // 8)
_CRPW = _CELL_ROWS // _NW
_CPW = _CELLS // _NW
_NSTEP = 16
_CPB = _CELLS // _NSTEP


def _tc_rowor_body(t_ref, r_ref):
    t = t_ref[0]
    m = jnp.left_shift(1, t)
    a3 = m.reshape(_H // 8, 8, _W)
    r01 = a3[:, 0, :] | a3[:, 1, :]
    r23 = a3[:, 2, :] | a3[:, 3, :]
    r45 = a3[:, 4, :] | a3[:, 5, :]
    r67 = a3[:, 6, :] | a3[:, 7, :]
    r_ref[0] = (r01 | r23) | (r45 | r67)


def _sc_mask_body(r_hbm, m_hbm, buf, obuf, sem):
    wid = lax.axis_index("s") * 2 + lax.axis_index("c")
    iota = lax.iota(jnp.int32, 16)
    rotv = [iota * 8 + ((k + (iota >> 1)) & 7) for k in range(8)]

    pltpu.sync_copy(r_hbm.at[pl.ds(wid * _CRPW, _CRPW), :], buf)

    def cellrow(rr, carry):
        rows = jnp.full((16,), 0, jnp.int32) + rr
        accs = [jnp.zeros((16,), jnp.int32) for _ in range(4)]
        for k in range(8):
            for g in range(4):
                v = plsc.load_gather(buf, [rows, rotv[k] + (g * 128)])
                accs[g] = accs[g] | v
        for g in range(4):
            obuf[pl.ds(rr * 64 + g * 16, 16)] = accs[g]
        return carry

    lax.fori_loop(0, _CRPW, cellrow, 0)
    pltpu.sync_copy(obuf, m_hbm.at[pl.ds(wid * _CPW, _CPW)])


_sc_masks = functools.partial(
    pl.kernel,
    out_type=jax.ShapeDtypeStruct((_CELLS,), jnp.int32),
    mesh=plsc.VectorSubcoreMesh(core_axis_name="c", subcore_axis_name="s"),
    scratch_types=[
        pltpu.VMEM((_CRPW, _W), jnp.int32),
        pltpu.VMEM((_CPW,), jnp.int32),
        pltpu.SemaphoreType.DMA,
    ],
    compiler_params=pltpu.CompilerParams(
        needs_layout_passes=False, use_tc_tiling_on_sc=True),
)(_sc_mask_body)


def _tc_combine_body(gs_ref, m_ref, p_ref, o_ref):
    b = pl.program_id(0)
    s = (gs_ref[0] - 8) & 31
    m = m_ref[0, 0].astype(jnp.uint32)
    mrot = ((m << s) | (m >> ((32 - s) & 31))).astype(jnp.int32)

    p = p_ref[...]
    sp = jnp.maximum(p, 0.0) + jnp.log1p(jnp.exp(-jnp.abs(p)))
    term1 = jnp.sum(jnp.minimum(sp, 100.0))
    cidx = lax.broadcasted_iota(jnp.int32, (_CPB, NUM_CLASSES), 1)
    y = (jnp.right_shift(mrot[:, None], cidx) & 1).astype(jnp.float32)
    term2 = -jnp.sum(y * p)

    @pl.when(b == 0)
    def _():
        o_ref[...] = jnp.zeros((1, 1), jnp.float32)

    o_ref[...] += jnp.full((1, 1), (term1 + term2) * _INV_N)


def kernel(preds, targets, grid_size):
    rowor = pl.pallas_call(
        _tc_rowor_body,
        grid=(_B,),
        in_specs=[pl.BlockSpec((1, _H, _W), lambda b: (b, 0, 0))],
        out_specs=pl.BlockSpec((1, _H // 8, _W), lambda b: (b, 0, 0)),
        out_shape=jax.ShapeDtypeStruct((_B, _H // 8, _W), jnp.int32),
    )(targets)
    masks = _sc_masks(rowor.reshape(_CELL_ROWS, _W))
    m3 = masks.reshape(_NSTEP, 1, _CPB)
    gs = jnp.asarray(grid_size, jnp.int32).reshape(1)
    out = pl.pallas_call(
        _tc_combine_body,
        grid=(_NSTEP,),
        in_specs=[
            pl.BlockSpec(memory_space=pltpu.SMEM),
            pl.BlockSpec((1, 1, _CPB), lambda b: (b, 0, 0)),
            pl.BlockSpec((_CPB, NUM_CLASSES), lambda b: (b, 0)),
        ],
        out_specs=pl.BlockSpec((1, 1), lambda b: (0, 0)),
        out_shape=jax.ShapeDtypeStruct((1, 1), jnp.float32),
    )(gs, m3, preds)
    return out[0, 0]

# --- scband reference (transcript-rebuilt; emitter-appended) ---
"""Pipeline reference for scband-seg-encode-loss-37280316129713 (READ-ONLY COPY).

The authoritative reference and input builder live on the scoring server;
editing this copy changes nothing except your own understanding.
"""

import jax, jax.numpy as jnp
import numpy as np

NUM_CLASSES = 19
GRID_SIZE = 8


def setup_inputs(seed: int = 0) -> dict:
    key = jax.random.key(seed)
    k1, k2 = jax.random.split(key)
    preds = jax.random.normal(k1, (65536, NUM_CLASSES), dtype=jnp.float32)
    targets = jax.random.randint(k2, (16, 512, 512), 0, 19, dtype=jnp.int32)
    return {"preds": preds, "targets": targets, "grid_size": 8}


def _get_batch_label_vector(targets, num_classes, grid_size):
    b, h, w = targets.shape
    gs = GRID_SIZE
    targets = targets + (jnp.asarray(grid_size, dtype=targets.dtype) - gs)
    pad_h = (gs - h % gs) % gs
    pad_w = (gs - w % gs) % gs
    t = jnp.pad(targets, ((0, 0), (0, pad_h), (0, pad_w)), constant_values=num_classes)
    H, W = t.shape[1], t.shape[2]
    t = t.reshape(b, H // gs, gs, W // gs, gs)
    t = jnp.transpose(t, (0, 1, 3, 2, 4)).reshape(-1, gs, gs)
    cells = t.shape[0]
    flat = t.reshape(-1)
    cell_ids = jnp.repeat(jnp.arange(cells, dtype=jnp.int32), gs * gs)
    # torch.histc(bins=num_classes, min=0, max=num_classes-1) ignores out-of-range values
    valid = (flat >= 0) & (flat <= num_classes - 1)
    cls = jnp.clip(flat, 0, num_classes - 1)
    hist = jnp.zeros((cells, num_classes), dtype=jnp.float32).at[cell_ids, cls].add(valid.astype(jnp.float32))
    return (hist > 0).astype(jnp.float32)


def reference(preds, targets, grid_size):
    if targets.ndim == 2:
        se_target = targets.astype(preds.dtype)
    else:
        se_target = _get_batch_label_vector(targets, NUM_CLASSES, grid_size).astype(preds.dtype)
    p = jax.nn.sigmoid(preds)
    # nn.BCELoss clamps log terms at -100, mean reduction
    logp = jnp.clip(jnp.log(p), -100.0, None)
    log1mp = jnp.clip(jnp.log(1.0 - p), -100.0, None)
    loss = -(se_target * logp + (1.0 - se_target) * log1mp)
    return jnp.mean(loss)

if __name__ == "__main__":
    import jax
    _d = setup_inputs()
    print(jax.jit(kernel)(*tuple(_d.values())))

</pallas_src>

<mosaic_0001>
#map = affine_map<(d0, d1) -> (0, 0)>
#map1 = affine_map<(d0, d1) -> (0)>
module attributes {stable_mosaic.version = 14 : i64} {
  func.func @_sc_mask_body(%arg0: i32, %arg1: i32, %arg2: memref<1024x512xi32, #tpu.memory_space<hbm>>, %arg3: memref<65536xi32, #tpu.memory_space<hbm>>, %arg4: memref<32x512xi32, #tpu.memory_space<vmem>>, %arg5: memref<2048xi32, #tpu.memory_space<vmem>>, %arg6: memref<!tpu.dma_semaphore, #tpu.memory_space<semaphore_mem>>) attributes {dimension_semantics = [#tpu.dimension_semantics<core_parallel>, #tpu.dimension_semantics<subcore_parallel>], iteration_bounds = array<i64: 2, 16>, scalar_prefetch = 0 : i64, scratch_operands = 3 : i64, tpu.core_type = #tpu.core_type<sc_vector_subcore>, window_params = [{transform_indices = #map}, {transform_indices = #map1}]} {
    %mul3A = arith.constant 2 : i32
    %mul3A_0 = arith.muli %arg1, %mul3A : i32
    %add3A = arith.addi %mul3A_0, %arg0 : i32
    %iota3A = tpu.iota {dimensions = array<i32: 0>} : vector<16xi32>
    %mul3A_1 = arith.constant 8 : i32
    %mul3A_2 = vector.broadcast %mul3A_1 : i32 to vector<16xi32>
    %mul3A_3 = arith.muli %iota3A, %mul3A_2 : vector<16xi32>
    %shift_right_arithmetic3A = arith.constant 1 : i32
    %shift_right_arithmetic3A_4 = vector.broadcast %shift_right_arithmetic3A : i32 to vector<16xi32>
    %shift_right_arithmetic3A_5 = arith.shrsi %iota3A, %shift_right_arithmetic3A_4 : vector<16xi32>
    %add3A_6 = arith.constant 0 : i32
    %add3A_7 = vector.broadcast %add3A_6 : i32 to vector<16xi32>
    %add3A_8 = arith.addi %add3A_7, %shift_right_arithmetic3A_5 : vector<16xi32>
    %and3A = arith.constant 7 : i32
    %and3A_9 = vector.broadcast %and3A : i32 to vector<16xi32>
    %and3A_10 = arith.andi %add3A_8, %and3A_9 : vector<16xi32>
    %add3A_11 = arith.addi %mul3A_3, %and3A_10 : vector<16xi32>
    %mul3A_12 = arith.constant 8 : i32
    %mul3A_13 = vector.broadcast %mul3A_12 : i32 to vector<16xi32>
    %mul3A_14 = arith.muli %iota3A, %mul3A_13 : vector<16xi32>
    %shift_right_arithmetic3A_15 = arith.constant 1 : i32
    %shift_right_arithmetic3A_16 = vector.broadcast %shift_right_arithmetic3A_15 : i32 to vector<16xi32>
    %shift_right_arithmetic3A_17 = arith.shrsi %iota3A, %shift_right_arithmetic3A_16 : vector<16xi32>
    %add3A_18 = arith.constant 1 : i32
    %add3A_19 = vector.broadcast %add3A_18 : i32 to vector<16xi32>
    %add3A_20 = arith.addi %add3A_19, %shift_right_arithmetic3A_17 : vector<16xi32>
    %and3A_21 = arith.constant 7 : i32
    %and3A_22 = vector.broadcast %and3A_21 : i32 to vector<16xi32>
    %and3A_23 = arith.andi %add3A_20, %and3A_22 : vector<16xi32>
    %add3A_24 = arith.addi %mul3A_14, %and3A_23 : vector<16xi32>
    %mul3A_25 = arith.constant 8 : i32
    %mul3A_26 = vector.broadcast %mul3A_25 : i32 to vector<16xi32>
    %mul3A_27 = arith.muli %iota3A, %mul3A_26 : vector<16xi32>
    %shift_right_arithmetic3A_28 = arith.constant 1 : i32
    %shift_right_arithmetic3A_29 = vector.broadcast %shift_right_arithmetic3A_28 : i32 to vector<16xi32>
    %shift_right_arithmetic3A_30 = arith.shrsi %iota3A, %shift_right_arithmetic3A_29 : vector<16xi32>
    %add3A_31 = arith.constant 2 : i32
    %add3A_32 = vector.broadcast %add3A_31 : i32 to vector<16xi32>
    %add3A_33 = arith.addi %add3A_32, %shift_right_arithmetic3A_30 : vector<16xi32>
    %and3A_34 = arith.constant 7 : i32
    %and3A_35 = vector.broadcast %and3A_34 : i32 to vector<16xi32>
    %and3A_36 = arith.andi %add3A_33, %and3A_35 : vector<16xi32>
    %add3A_37 = arith.addi %mul3A_27, %and3A_36 : vector<16xi32>
    %mul3A_38 = arith.constant 8 : i32
    %mul3A_39 = vector.broadcast %mul3A_38 : i32 to vector<16xi32>
    %mul3A_40 = arith.muli %iota3A, %mul3A_39 : vector<16xi32>
    %shift_right_arithmetic3A_41 = arith.constant 1 : i32
    %shift_right_arithmetic3A_42 = vector.broadcast %shift_right_arithmetic3A_41 : i32 to vector<16xi32>
    %shift_right_arithmetic3A_43 = arith.shrsi %iota3A, %shift_right_arithmetic3A_42 : vector<16xi32>
    %add3A_44 = arith.constant 3 : i32
    %add3A_45 = vector.broadcast %add3A_44 : i32 to vector<16xi32>
    %add3A_46 = arith.addi %add3A_45, %shift_right_arithmetic3A_43 : vector<16xi32>
    %and3A_47 = arith.constant 7 : i32
    %and3A_48 = vector.broadcast %and3A_47 : i32 to vector<16xi32>
    %and3A_49 = arith.andi %add3A_46, %and3A_48 : vector<16xi32>
    %add3A_50 = arith.addi %mul3A_40, %and3A_49 : vector<16xi32>
    %mul3A_51 = arith.constant 8 : i32
    %mul3A_52 = vector.broadcast %mul3A_51 : i32 to vector<16xi32>
    %mul3A_53 = arith.muli %iota3A, %mul3A_52 : vector<16xi32>
    %shift_right_arithmetic3A_54 = arith.constant 1 : i32
    %shift_right_arithmetic3A_55 = vector.broadcast %shift_right_arithmetic3A_54 : i32 to vector<16xi32>
    %shift_right_arithmetic3A_56 = arith.shrsi %iota3A, %shift_right_arithmetic3A_55 : vector<16xi32>
    %add3A_57 = arith.constant 4 : i32
    %add3A_58 = vector.broadcast %add3A_57 : i32 to vector<16xi32>
    %add3A_59 = arith.addi %add3A_58, %shift_right_arithmetic3A_56 : vector<16xi32>
    %and3A_60 = arith.constant 7 : i32
    %and3A_61 = vector.broadcast %and3A_60 : i32 to vector<16xi32>
    %and3A_62 = arith.andi %add3A_59, %and3A_61 : vector<16xi32>
    %add3A_63 = arith.addi %mul3A_53, %and3A_62 : vector<16xi32>
    %mul3A_64 = arith.constant 8 : i32
    %mul3A_65 = vector.broadcast %mul3A_64 : i32 to vector<16xi32>
    %mul3A_66 = arith.muli %iota3A, %mul3A_65 : vector<16xi32>
    %shift_right_arithmetic3A_67 = arith.constant 1 : i32
    %shift_right_arithmetic3A_68 = vector.broadcast %shift_right_arithmetic3A_67 : i32 to vector<16xi32>
    %shift_right_arithmetic3A_69 = arith.shrsi %iota3A, %shift_right_arithmetic3A_68 : vector<16xi32>
    %add3A_70 = arith.constant 5 : i32
    %add3A_71 = vector.broadcast %add3A_70 : i32 to vector<16xi32>
    %add3A_72 = arith.addi %add3A_71, %shift_right_arithmetic3A_69 : vector<16xi32>
    %and3A_73 = arith.constant 7 : i32
    %and3A_74 = vector.broadcast %and3A_73 : i32 to vector<16xi32>
    %and3A_75 = arith.andi %add3A_72, %and3A_74 : vector<16xi32>
    %add3A_76 = arith.addi %mul3A_66, %and3A_75 : vector<16xi32>
    %mul3A_77 = arith.constant 8 : i32
    %mul3A_78 = vector.broadcast %mul3A_77 : i32 to vector<16xi32>
    %mul3A_79 = arith.muli %iota3A, %mul3A_78 : vector<16xi32>
    %shift_right_arithmetic3A_80 = arith.constant 1 : i32
    %shift_right_arithmetic3A_81 = vector.broadcast %shift_right_arithmetic3A_80 : i32 to vector<16xi32>
    %shift_right_arithmetic3A_82 = arith.shrsi %iota3A, %shift_right_arithmetic3A_81 : vector<16xi32>
    %add3A_83 = arith.constant 6 : i32
    %add3A_84 = vector.broadcast %add3A_83 : i32 to vector<16xi32>
    %add3A_85 = arith.addi %add3A_84, %shift_right_arithmetic3A_82 : vector<16xi32>
    %and3A_86 = arith.constant 7 : i32
    %and3A_87 = vector.broadcast %and3A_86 : i32 to vector<16xi32>
    %and3A_88 = arith.andi %add3A_85, %and3A_87 : vector<16xi32>
    %add3A_89 = arith.addi %mul3A_79, %and3A_88 : vector<16xi32>
    %mul3A_90 = arith.constant 8 : i32
    %mul3A_91 = vector.broadcast %mul3A_90 : i32 to vector<16xi32>
    %mul3A_92 = arith.muli %iota3A, %mul3A_91 : vector<16xi32>
    %shift_right_arithmetic3A_93 = arith.constant 1 : i32
    %shift_right_arithmetic3A_94 = vector.broadcast %shift_right_arithmetic3A_93 : i32 to vector<16xi32>
    %shift_right_arithmetic3A_95 = arith.shrsi %iota3A, %shift_right_arithmetic3A_94 : vector<16xi32>
    %add3A_96 = arith.constant 7 : i32
    %add3A_97 = vector.broadcast %add3A_96 : i32 to vector<16xi32>
    %add3A_98 = arith.addi %add3A_97, %shift_right_arithmetic3A_95 : vector<16xi32>
    %and3A_99 = arith.constant 7 : i32
    %and3A_100 = vector.broadcast %and3A_99 : i32 to vector<16xi32>
    %and3A_101 = arith.andi %add3A_98, %and3A_100 : vector<16xi32>
    %add3A_102 = arith.addi %mul3A_92, %and3A_101 : vector<16xi32>
    %mul3A_103 = arith.constant 32 : i32
    %mul3A_104 = arith.muli %add3A, %mul3A_103 : i32
    "tpu.region"() ({
      %run_scoped3A = tpu.sem_alloc : memref<!tpu.dma_semaphore, #tpu.memory_space<semaphore_mem>>
      %dma_start3A = arith.constant 0 : i32
      %dma_start3A_112 = tpu.memref_slice %arg2[%mul3A_104, %dma_start3A] : memref<1024x512xi32, #tpu.memory_space<hbm>> -> memref<32x512xi32, #tpu.memory_space<hbm>>
      %dma_start3A_113 = arith.constant 0 : i32
      %dma_start3A_114 = tpu.memref_slice %arg2[%mul3A_104, %dma_start3A_113] : memref<1024x512xi32, #tpu.memory_space<hbm>> -> memref<32x512xi32, #tpu.memory_space<hbm>>
      tpu.enqueue_dma source(%dma_start3A_114 : memref<32x512xi32, #tpu.memory_space<hbm>>) target(%arg4 : memref<32x512xi32, #tpu.memory_space<vmem>>) target_semaphore(%run_scoped3A : memref<!tpu.dma_semaphore, #tpu.memory_space<semaphore_mem>>)
      %dma_wait3A = arith.constant 0 : i32
      %dma_wait3A_115 = tpu.memref_slice %arg2[%mul3A_104, %dma_wait3A] : memref<1024x512xi32, #tpu.memory_space<hbm>> -> memref<32x512xi32, #tpu.memory_space<hbm>>
      %dma_wait3A_116 = arith.constant 0 : i32
      %dma_wait3A_117 = tpu.memref_slice %arg2[%mul3A_104, %dma_wait3A_116] : memref<1024x512xi32, #tpu.memory_space<hbm>> -> memref<32x512xi32, #tpu.memory_space<hbm>>
      tpu.wait_dma2 semaphore(%run_scoped3A : memref<!tpu.dma_semaphore, #tpu.memory_space<semaphore_mem>>) src(%dma_wait3A_117 : memref<32x512xi32, #tpu.memory_space<hbm>>) dst(%arg4 : memref<32x512xi32, #tpu.memory_space<vmem>>)
      tpu.yield
    }) : () -> ()
    %scan3A = arith.constant 0 : i32
    %scan3A_105 = arith.constant 0 : i32
    %scan3A_106 = arith.constant 32 : i32
    %scan3A_107 = arith.addi %scan3A_105, %scan3A_106 : i32
    %scan3A_108 = arith.constant 1 : i32
    scf.for %scan3A_112 = %scan3A_105 to %scan3A_107 step %scan3A_108  : i32 {
      %broadcast_in_dim3A = arith.constant 0 : i32
      %broadcast_in_dim3A_113 = vector.broadcast %broadcast_in_dim3A : i32 to vector<16xi32>
      %add3A_114 = vector.broadcast %scan3A_112 : i32 to vector<16xi32>
      %add3A_115 = arith.addi %broadcast_in_dim3A_113, %add3A_114 : vector<16xi32>
      %broadcast_in_dim3A_116 = arith.constant 0 : i32
      %broadcast_in_dim3A_117 = vector.broadcast %broadcast_in_dim3A_116 : i32 to vector<16xi32>
      %broadcast_in_dim3A_118 = arith.constant 0 : i32
      %broadcast_in_dim3A_119 = vector.broadcast %broadcast_in_dim3A_118 : i32 to vector<16xi32>
      %broadcast_in_dim3A_120 = arith.constant 0 : i32
      %broadcast_in_dim3A_121 = vector.broadcast %broadcast_in_dim3A_120 : i32 to vector<16xi32>
      %broadcast_in_dim3A_122 = arith.constant 0 : i32
      %broadcast_in_dim3A_123 = vector.broadcast %broadcast_in_dim3A_122 : i32 to vector<16xi32>
      %add3A_124 = arith.constant 0 : i32
      %add3A_125 = vector.broadcast %add3A_124 : i32 to vector<16xi32>
      %add3A_126 = arith.addi %add3A_11, %add3A_125 : vector<16xi32>
      %gather3A = tpu.vector_load_idx %arg4[%add3A_115, %add3A_126] : memref<32x512xi32, #tpu.memory_space<vmem>>[vector<16xi32>, vector<16xi32>], vector<16xi32>,
      %or3A = arith.ori %broadcast_in_dim3A_117, %gather3A : vector<16xi32>
      %add3A_127 = arith.constant 128 : i32
      %add3A_128 = vector.broadcast %add3A_127 : i32 to vector<16xi32>
      %add3A_129 = arith.addi %add3A_11, %add3A_128 : vector<16xi32>
      %gather3A_130 = tpu.vector_load_idx %arg4[%add3A_115, %add3A_129] : memref<32x512xi32, #tpu.memory_space<vmem>>[vector<16xi32>, vector<16xi32>], vector<16xi32>,
      %or3A_131 = arith.ori %broadcast_in_dim3A_119, %gather3A_130 : vector<16xi32>
      %add3A_132 = arith.constant 256 : i32
      %add3A_133 = vector.broadcast %add3A_132 : i32 to vector<16xi32>
      %add3A_134 = arith.addi %add3A_11, %add3A_133 : vector<16xi32>
      %gather3A_135 = tpu.vector_load_idx %arg4[%add3A_115, %add3A_134] : memref<32x512xi32, #tpu.memory_space<vmem>>[vector<16xi32>, vector<16xi32>], vector<16xi32>,
      %or3A_136 = arith.ori %broadcast_in_dim3A_121, %gather3A_135 : vector<16xi32>
      %add3A_137 = arith.constant 384 : i32
      %add3A_138 = vector.broadcast %add3A_137 : i32 to vector<16xi32>
      %add3A_139 = arith.addi %add3A_11, %add3A_138 : vector<16xi32>
      %gather3A_140 = tpu.vector_load_idx %arg4[%add3A_115, %add3A_139] : memref<32x512xi32, #tpu.memory_space<vmem>>[vector<16xi32>, vector<16xi32>], vector<16xi32>,
      %or3A_141 = arith.ori %broadcast_in_dim3A_123, %gather3A_140 : vector<16xi32>
      %add3A_142 = arith.constant 0 : i32
      %add3A_143 = vector.broadcast %add3A_142 : i32 to vector<16xi32>
      %add3A_144 = arith.addi %add3A_24, %add3A_143 : vector<16xi32>
      %gather3A_145 = tpu.vector_load_idx %arg4[%add3A_115, %add3A_144] : memref<32x512xi32, #tpu.memory_space<vmem>>[vector<16xi32>, vector<16xi32>], vector<16xi32>,
      %or3A_146 = arith.ori %or3A, %gather3A_145 : vector<16xi32>
      %add3A_147 = arith.constant 128 : i32
      %add3A_148 = vector.broadcast %add3A_147 : i32 to vector<16xi32>
      %add3A_149 = arith.addi %add3A_24, %add3A_148 : vector<16xi32>
      %gather3A_150 = tpu.vector_load_idx %arg4[%add3A_115, %add3A_149] : memref<32x512xi32, #tpu.memory_space<vmem>>[vector<16xi32>, vector<16xi32>], vector<16xi32>,
      %or3A_151 = arith.ori %or3A_131, %gather3A_150 : vector<16xi32>
      %add3A_152 = arith.constant 256 : i32
      %add3A_153 = vector.broadcast %add3A_152 : i32 to vector<16xi32>
      %add3A_154 = arith.addi %add3A_24, %add3A_153 : vector<16xi32>
      %gather3A_155 = tpu.vector_load_idx %arg4[%add3A_115, %add3A_154] : memref<32x512xi32, #tpu.memory_space<vmem>>[vector<16xi32>, vector<16xi32>], vector<16xi32>,
      %or3A_156 = arith.ori %or3A_136, %gather3A_155 : vector<16xi32>
      %add3A_157 = arith.constant 384 : i32
      %add3A_158 = vector.broadcast %add3A_157 : i32 to vector<16xi32>
      %add3A_159 = arith.addi %add3A_24, %add3A_158 : vector<16xi32>
      %gather3A_160 = tpu.vector_load_idx %arg4[%add3A_115, %add3A_159] : memref<32x512xi32, #tpu.memory_space<vmem>>[vector<16xi32>, vector<16xi32>], vector<16xi32>,
      %or3A_161 = arith.ori %or3A_141, %gather3A_160 : vector<16xi32>
      %add3A_162 = arith.constant 0 : i32
      %add3A_163 = vector.broadcast %add3A_162 : i32 to vector<16xi32>
      %add3A_164 = arith.addi %add3A_37, %add3A_163 : vector<16xi32>
      %gather3A_165 = tpu.vector_load_idx %arg4[%add3A_115, %add3A_164] : memref<32x512xi32, #tpu.memory_space<vmem>>[vector<16xi32>, vector<16xi32>], vector<16xi32>,
      %or3A_166 = arith.ori %or3A_146, %gather3A_165 : vector<16xi32>
      %add3A_167 = arith.constant 128 : i32
      %add3A_168 = vector.broadcast %add3A_167 : i32 to vector<16xi32>
      %add3A_169 = arith.addi %add3A_37, %add3A_168 : vector<16xi32>
      %gather3A_170 = tpu.vector_load_idx %arg4[%add3A_115, %add3A_169] : memref<32x512xi32, #tpu.memory_space<vmem>>[vector<16xi32>, vector<16xi32>], vector<16xi32>,
      %or3A_171 = arith.ori %or3A_151, %gather3A_170 : vector<16xi32>
      %add3A_172 = arith.constant 256 : i32
      %add3A_173 = vector.broadcast %add3A_172 : i32 to vector<16xi32>
      %add3A_174 = arith.addi %add3A_37, %add3A_173 : vector<16xi32>
      %gather3A_175 = tpu.vector_load_idx %arg4[%add3A_115, %add3A_174] : memref<32x512xi32, #tpu.memory_space<vmem>>[vector<16xi32>, vector<16xi32>], vector<16xi32>,
      %or3A_176 = arith.ori %or3A_156, %gather3A_175 : vector<16xi32>
      %add3A_177 = arith.constant 384 : i32
      %add3A_178 = vector.broadcast %add3A_177 : i32 to vector<16xi32>
      %add3A_179 = arith.addi %add3A_37, %add3A_178 : vector<16xi32>
      %gather3A_180 = tpu.vector_load_idx %arg4[%add3A_115, %add3A_179] : memref<32x512xi32, #tpu.memory_space<vmem>>[vector<16xi32>, vector<16xi32>], vector<16xi32>,
      %or3A_181 = arith.ori %or3A_161, %gather3A_180 : vector<16xi32>
      %add3A_182 = arith.constant 0 : i32
      %add3A_183 = vector.broadcast %add3A_182 : i32 to vector<16xi32>
      %add3A_184 = arith.addi %add3A_50, %add3A_183 : vector<16xi32>
      %gather3A_185 = tpu.vector_load_idx %arg4[%add3A_115, %add3A_184] : memref<32x512xi32, #tpu.memory_space<vmem>>[vector<16xi32>, vector<16xi32>], vector<16xi32>,
      %or3A_186 = arith.ori %or3A_166, %gather3A_185 : vector<16xi32>
      %add3A_187 = arith.constant 128 : i32
      %add3A_188 = vector.broadcast %add3A_187 : i32 to vector<16xi32>
      %add3A_189 = arith.addi %add3A_50, %add3A_188 : vector<16xi32>
      %gather3A_190 = tpu.vector_load_idx %arg4[%add3A_115, %add3A_189] : memref<32x512xi32, #tpu.memory_space<vmem>>[vector<16xi32>, vector<16xi32>], vector<16xi32>,
      %or3A_191 = arith.ori %or3A_171, %gather3A_190 : vector<16xi32>
      %add3A_192 = arith.constant 256 : i32
      %add3A_193 = vector.broadcast %add3A_192 : i32 to vector<16xi32>
      %add3A_194 = arith.addi %add3A_50, %add3A_193 : vector<16xi32>
      %gather3A_195 = tpu.vector_load_idx %arg4[%add3A_115, %add3A_194] : memref<32x512xi32, #tpu.memory_space<vmem>>[vector<16xi32>, vector<16xi32>], vector<16xi32>,
      %or3A_196 = arith.ori %or3A_176, %gather3A_195 : vector<16xi32>
      %add3A_197 = arith.constant 384 : i32
      %add3A_198 = vector.broadcast %add3A_197 : i32 to vector<16xi32>
      %add3A_199 = arith.addi %add3A_50, %add3A_198 : vector<16xi32>
      %gather3A_200 = tpu.vector_load_idx %arg4[%add3A_115, %add3A_199] : memref<32x512xi32, #tpu.memory_space<vmem>>[vector<16xi32>, vector<16xi32>], vector<16xi32>,
      %or3A_201 = arith.ori %or3A_181, %gather3A_200 : vector<16xi32>
      %add3A_202 = arith.constant 0 : i32
      %add3A_203 = vector.broadcast %add3A_202 : i32 to vector<16xi32>
      %add3A_204 = arith.addi %add3A_63, %add3A_203 : vector<16xi32>
      %gather3A_205 = tpu.vector_load_idx %arg4[%add3A_115, %add3A_204] : memref<32x512xi32, #tpu.memory_space<vmem>>[vector<16xi32>, vector<16xi32>], vector<16xi32>,
      %or3A_206 = arith.ori %or3A_186, %gather3A_205 : vector<16xi32>
      %add3A_207 = arith.constant 128 : i32
      %add3A_208 = vector.broadcast %add3A_207 : i32 to vector<16xi32>
      %add3A_209 = arith.addi %add3A_63, %add3A_208 : vector<16xi32>
      %gather3A_210 = tpu.vector_load_idx %arg4[%add3A_115, %add3A_209] : memref<32x512xi32, #tpu.memory_space<vmem>>[vector<16xi32>, vector<16xi32>], vector<16xi32>,
      %or3A_211 = arith.ori %or3A_191, %gather3A_210 : vector<16xi32>
      %add3A_212 = arith.constant 256 : i32
      %add3A_213 = vector.broadcast %add3A_212 : i32 to vector<16xi32>
      %add3A_214 = arith.addi %add3A_63, %add3A_213 : vector<16xi32>
      %gather3A_215 = tpu.vector_load_idx %arg4[%add3A_115, %add3A_214] : memref<32x512xi32, #tpu.memory_space<vmem>>[vector<16xi32>, vector<16xi32>], vector<16xi32>,
      %or3A_216 = arith.ori %or3A_196, %gather3A_215 : vector<16xi32>
      %add3A_217 = arith.constant 384 : i32
      %add3A_218 = vector.broadcast %add3A_217 : i32 to vector<16xi32>
      %add3A_219 = arith.addi %add3A_63, %add3A_218 : vector<16xi32>
      %gather3A_220 = tpu.vector_load_idx %arg4[%add3A_115, %add3A_219] : memref<32x512xi32, #tpu.memory_space<vmem>>[vector<16xi32>, vector<16xi32>], vector<16xi32>,
      %or3A_221 = arith.ori %or3A_201, %gather3A_220 : vector<16xi32>
      %add3A_222 = arith.constant 0 : i32
      %add3A_223 = vector.broadcast %add3A_222 : i32 to vector<16xi32>
      %add3A_224 = arith.addi %add3A_76, %add3A_223 : vector<16xi32>
      %gather3A_225 = tpu.vector_load_idx %arg4[%add3A_115, %add3A_224] : memref<32x512xi32, #tpu.memory_space<vmem>>[vector<16xi32>, vector<16xi32>], vector<16xi32>,
      %or3A_226 = arith.ori %or3A_206, %gather3A_225 : vector<16xi32>
      %add3A_227 = arith.constant 128 : i32
      %add3A_228 = vector.broadcast %add3A_227 : i32 to vector<16xi32>
      %add3A_229 = arith.addi %add3A_76, %add3A_228 : vector<16xi32>
      %gather3A_230 = tpu.vector_load_idx %arg4[%add3A_115, %add3A_229] : memref<32x512xi32, #tpu.memory_space<vmem>>[vector<16xi32>, vector<16xi32>], vector<16xi32>,
      %or3A_231 = arith.ori %or3A_211, %gather3A_230 : vector<16xi32>
      %add3A_232 = arith.constant 256 : i32
      %add3A_233 = vector.broadcast %add3A_232 : i32 to vector<16xi32>
      %add3A_234 = arith.addi %add3A_76, %add3A_233 : vector<16xi32>
      %gather3A_235 = tpu.vector_load_idx %arg4[%add3A_115, %add3A_234] : memref<32x512xi32, #tpu.memory_space<vmem>>[vector<16xi32>, vector<16xi32>], vector<16xi32>,
      %or3A_236 = arith.ori %or3A_216, %gather3A_235 : vector<16xi32>
      %add3A_237 = arith.constant 384 : i32
      %add3A_238 = vector.broadcast %add3A_237 : i32 to vector<16xi32>
      %add3A_239 = arith.addi %add3A_76, %add3A_238 : vector<16xi32>
      %gather3A_240 = tpu.vector_load_idx %arg4[%add3A_115, %add3A_239] : memref<32x512xi32, #tpu.memory_space<vmem>>[vector<16xi32>, vector<16xi32>], vector<16xi32>,
      %or3A_241 = arith.ori %or3A_221, %gather3A_240 : vector<16xi32>
      %add3A_242 = arith.constant 0 : i32
      %add3A_243 = vector.broadcast %add3A_242 : i32 to vector<16xi32>
      %add3A_244 = arith.addi %add3A_89, %add3A_243 : vector<16xi32>
      %gather3A_245 = tpu.vector_load_idx %arg4[%add3A_115, %add3A_244] : memref<32x512xi32, #tpu.memory_space<vmem>>[vector<16xi32>, vector<16xi32>], vector<16xi32>,
      %or3A_246 = arith.ori %or3A_226, %gather3A_245 : vector<16xi32>
      %add3A_247 = arith.constant 128 : i32
      %add3A_248 = vector.broadcast %add3A_247 : i32 to vector<16xi32>
      %add3A_249 = arith.addi %add3A_89, %add3A_248 : vector<16xi32>
      %gather3A_250 = tpu.vector_load_idx %arg4[%add3A_115, %add3A_249] : memref<32x512xi32, #tpu.memory_space<vmem>>[vector<16xi32>, vector<16xi32>], vector<16xi32>,
      %or3A_251 = arith.ori %or3A_231, %gather3A_250 : vector<16xi32>
      %add3A_252 = arith.constant 256 : i32
      %add3A_253 = vector.broadcast %add3A_252 : i32 to vector<16xi32>
      %add3A_254 = arith.addi %add3A_89, %add3A_253 : vector<16xi32>
      %gather3A_255 = tpu.vector_load_idx %arg4[%add3A_115, %add3A_254] : memref<32x512xi32, #tpu.memory_space<vmem>>[vector<16xi32>, vector<16xi32>], vector<16xi32>,
      %or3A_256 = arith.ori %or3A_236, %gather3A_255 : vector<16xi32>
      %add3A_257 = arith.constant 384 : i32
      %add3A_258 = vector.broadcast %add3A_257 : i32 to vector<16xi32>
      %add3A_259 = arith.addi %add3A_89, %add3A_258 : vector<16xi32>
      %gather3A_260 = tpu.vector_load_idx %arg4[%add3A_115, %add3A_259] : memref<32x512xi32, #tpu.memory_space<vmem>>[vector<16xi32>, vector<16xi32>], vector<16xi32>,
      %or3A_261 = arith.ori %or3A_241, %gather3A_260 : vector<16xi32>
      %add3A_262 = arith.constant 0 : i32
      %add3A_263 = vector.broadcast %add3A_262 : i32 to vector<16xi32>
      %add3A_264 = arith.addi %add3A_102, %add3A_263 : vector<16xi32>
      %gather3A_265 = tpu.vector_load_idx %arg4[%add3A_115, %add3A_264] : memref<32x512xi32, #tpu.memory_space<vmem>>[vector<16xi32>, vector<16xi32>], vector<16xi32>,
      %or3A_266 = arith.ori %or3A_246, %gather3A_265 : vector<16xi32>
      %add3A_267 = arith.constant 128 : i32
      %add3A_268 = vector.broadcast %add3A_267 : i32 to vector<16xi32>
      %add3A_269 = arith.addi %add3A_102, %add3A_268 : vector<16xi32>
      %gather3A_270 = tpu.vector_load_idx %arg4[%add3A_115, %add3A_269] : memref<32x512xi32, #tpu.memory_space<vmem>>[vector<16xi32>, vector<16xi32>], vector<16xi32>,
      %or3A_271 = arith.ori %or3A_251, %gather3A_270 : vector<16xi32>
      %add3A_272 = arith.constant 256 : i32
      %add3A_273 = vector.broadcast %add3A_272 : i32 to vector<16xi32>
      %add3A_274 = arith.addi %add3A_102, %add3A_273 : vector<16xi32>
      %gather3A_275 = tpu.vector_load_idx %arg4[%add3A_115, %add3A_274] : memref<32x512xi32, #tpu.memory_space<vmem>>[vector<16xi32>, vector<16xi32>], vector<16xi32>,
      %or3A_276 = arith.ori %or3A_256, %gather3A_275 : vector<16xi32>
      %add3A_277 = arith.constant 384 : i32
      %add3A_278 = vector.broadcast %add3A_277 : i32 to vector<16xi32>
      %add3A_279 = arith.addi %add3A_102, %add3A_278 : vector<16xi32>
      %gather3A_280 = tpu.vector_load_idx %arg4[%add3A_115, %add3A_279] : memref<32x512xi32, #tpu.memory_space<vmem>>[vector<16xi32>, vector<16xi32>], vector<16xi32>,
      %or3A_281 = arith.ori %or3A_261, %gather3A_280 : vector<16xi32>
      %mul3A_282 = arith.constant 64 : i32
      %mul3A_283 = arith.muli %scan3A_112, %mul3A_282 : i32
      %add3A_284 = arith.constant 0 : i32
      %add3A_285 = arith.addi %mul3A_283, %add3A_284 : i32
      %swap3A = arith.index_cast %add3A_285 : i32 to index
      %swap3A_286 = tpu.vector_load %arg5[%swap3A] {strides = array<i32>} : memref<2048xi32, #tpu.memory_space<vmem>>, vector<16xi32>,
      tpu.vector_store %arg5[%swap3A], %or3A_266 {strides = array<i32>} : memref<2048xi32, #tpu.memory_space<vmem>>, vector<16xi32>,
      %mul3A_287 = arith.constant 64 : i32
      %mul3A_288 = arith.muli %scan3A_112, %mul3A_287 : i32
      %add3A_289 = arith.constant 16 : i32
      %add3A_290 = arith.addi %mul3A_288, %add3A_289 : i32
      %swap3A_291 = arith.index_cast %add3A_290 : i32 to index
      %swap3A_292 = tpu.vector_load %arg5[%swap3A_291] {strides = array<i32>} : memref<2048xi32, #tpu.memory_space<vmem>>, vector<16xi32>,
      tpu.vector_store %arg5[%swap3A_291], %or3A_271 {strides = array<i32>} : memref<2048xi32, #tpu.memory_space<vmem>>, vector<16xi32>,
      %mul3A_293 = arith.constant 64 : i32
      %mul3A_294 = arith.muli %scan3A_112, %mul3A_293 : i32
      %add3A_295 = arith.constant 32 : i32
      %add3A_296 = arith.addi %mul3A_294, %add3A_295 : i32
      %swap3A_297 = arith.index_cast %add3A_296 : i32 to index
      %swap3A_298 = tpu.vector_load %arg5[%swap3A_297] {strides = array<i32>} : memref<2048xi32, #tpu.memory_space<vmem>>, vector<16xi32>,
      tpu.vector_store %arg5[%swap3A_297], %or3A_276 {strides = array<i32>} : memref<2048xi32, #tpu.memory_space<vmem>>, vector<16xi32>,
      %mul3A_299 = arith.constant 64 : i32
      %mul3A_300 = arith.muli %scan3A_112, %mul3A_299 : i32
      %add3A_301 = arith.constant 48 : i32
      %add3A_302 = arith.addi %mul3A_300, %add3A_301 : i32
      %swap3A_303 = arith.index_cast %add3A_302 : i32 to index
      %swap3A_304 = tpu.vector_load %arg5[%swap3A_303] {strides = array<i32>} : memref<2048xi32, #tpu.memory_space<vmem>>, vector<16xi32>,
      tpu.vector_store %arg5[%swap3A_303], %or3A_281 {strides = array<i32>} : memref<2048xi32, #tpu.memory_space<vmem>>, vector<16xi32>,
    }
    %scan3A_109 = arith.constant 32 : i32
    %mul3A_110 = arith.constant 2048 : i32
    %mul3A_111 = arith.muli %add3A, %mul3A_110 : i32
    "tpu.region"() ({
      %run_scoped3A = tpu.sem_alloc : memref<!tpu.dma_semaphore, #tpu.memory_space<semaphore_mem>>
      %dma_start3A = tpu.memref_slice %arg3[%mul3A_111] : memref<65536xi32, #tpu.memory_space<hbm>> -> memref<2048xi32, #tpu.memory_space<hbm>>
      %dma_start3A_112 = tpu.memref_slice %arg3[%mul3A_111] : memref<65536xi32, #tpu.memory_space<hbm>> -> memref<2048xi32, #tpu.memory_space<hbm>>
      tpu.enqueue_dma source(%arg5 : memref<2048xi32, #tpu.memory_space<vmem>>) target(%dma_start3A_112 : memref<2048xi32, #tpu.memory_space<hbm>>) target_semaphore(%run_scoped3A : memref<!tpu.dma_semaphore, #tpu.memory_space<semaphore_mem>>)
      %dma_wait3A = tpu.memref_slice %arg3[%mul3A_111] : memref<65536xi32, #tpu.memory_space<hbm>> -> memref<2048xi32, #tpu.memory_space<hbm>>
      %dma_wait3A_113 = tpu.memref_slice %arg3[%mul3A_111] : memref<65536xi32, #tpu.memory_space<hbm>> -> memref<2048xi32, #tpu.memory_space<hbm>>
      tpu.wait_dma2 semaphore(%run_scoped3A : memref<!tpu.dma_semaphore, #tpu.memory_space<semaphore_mem>>) src(%arg5 : memref<2048xi32, #tpu.memory_space<vmem>>) dst(%dma_wait3A_113 : memref<2048xi32, #tpu.memory_space<hbm>>)
      tpu.yield
    }) : () -> ()
    return
  }
}

module attributes {stable_mosaic.version = 14 : i64} {
  func.func @_tc_combine_body(%arg0: i32, %arg1: memref<1xi32, #tpu.memory_space<smem>>, %arg2: memref<1x1x4096xi32, #tpu.memory_space<vmem>>, %arg3: memref<4096x19xf32, #tpu.memory_space<vmem>>, %arg4: memref<1x1xf32, #tpu.memory_space<vmem>>) attributes {dimension_semantics = [#tpu.dimension_semantics<arbitrary>], iteration_bounds = array<i64: 16>, scalar_prefetch = 0 : i64, scratch_operands = 0 : i64, tpu.core_type = #tpu.core_type<tc>, window_params = [{transform_indices = @transform_0, window_bounds = array<i64: 1>}, {transform_indices = @transform_1, window_bounds = array<i64: 1, 1, 4096>}, {transform_indices = @transform_2, window_bounds = array<i64: 4096, 19>}, {pipeline_mode = #tpu.pipeline_mode<synchronous>, transform_indices = @transform_3, window_bounds = array<i64: 1, 1>}]} {
    %get3A = arith.constant 0 : index
    %get3A_0 = memref.load %arg1[%get3A] : memref<1xi32, #tpu.memory_space<smem>>
    %sub3A = arith.constant 8 : i32
    %sub3A_1 = arith.subi %get3A_0, %sub3A : i32
    %and3A = arith.constant 31 : i32
    %and3A_2 = arith.andi %sub3A_1, %and3A : i32
    %get3A_3 = arith.constant 0 : index
    %get3A_4 = arith.constant 0 : index
    %get3A_5 = arith.constant 0 : index
    %get3A_6 = vector.load %arg2[%get3A_3, %get3A_4, %get3A_5] : memref<1x1x4096xi32, #tpu.memory_space<vmem>>, vector<1x1x4096xi32>
    %get3A_7 = vector.shape_cast %get3A_6 : vector<1x1x4096xi32> to vector<4096xi32>
    %shift_left3A = vector.broadcast %and3A_2 : i32 to vector<4096xi32>
    %shift_left3A_8 = arith.shli %get3A_7, %shift_left3A : vector<4096xi32>
    %sub3A_9 = arith.constant 32 : i32
    %sub3A_10 = arith.subi %sub3A_9, %and3A_2 : i32
    %and3A_11 = arith.constant 31 : i32
    %and3A_12 = arith.andi %sub3A_10, %and3A_11 : i32
    %shift_right_arithmetic3A = vector.broadcast %and3A_12 : i32 to vector<4096xi32>
    %shift_right_arithmetic3A_13 = arith.shrsi %get3A_7, %shift_right_arithmetic3A : vector<4096xi32>
    %or3A = arith.ori %shift_left3A_8, %shift_right_arithmetic3A_13 : vector<4096xi32>
    %get3A_14 = arith.constant 0 : index
    %get3A_15 = arith.constant 0 : index
    %get3A_16 = vector.load %arg3[%get3A_14, %get3A_15] : memref<4096x19xf32, #tpu.memory_space<vmem>>, vector<4096x19xf32>
    %max3A = arith.constant 0.000000e+00 : f32
    %max3A_17 = vector.broadcast %max3A : f32 to vector<4096x19xf32>
    %max3A_18 = arith.maximumf %get3A_16, %max3A_17 : vector<4096x19xf32>
    %abs3A = math.absf %get3A_16 : vector<4096x19xf32>
    %neg3A = arith.constant 0.000000e+00 : f32
    %neg3A_19 = vector.broadcast %neg3A : f32 to vector<4096x19xf32>
    %neg3A_20 = arith.subf %neg3A_19, %abs3A : vector<4096x19xf32>
    %exp3A = math.exp %neg3A_20 : vector<4096x19xf32>
    %log1p3A = math.log1p %exp3A : vector<4096x19xf32>
    %add3A = arith.addf %max3A_18, %log1p3A : vector<4096x19xf32>
    %min3A = arith.constant 1.000000e+02 : f32
    %min3A_21 = vector.broadcast %min3A : f32 to vector<4096x19xf32>
    %min3A_22 = arith.minimumf %add3A, %min3A_21 : vector<4096x19xf32>
    %reduce_sum3A = vector.shape_cast %min3A_22 : vector<4096x19xf32> to vector<1x4096x19xf32>
    %reduce_sum3A_23 = arith.constant dense<0.000000e+00> : vector<1xf32>
    %reduce_sum3A_24 = vector.multi_reduction <add>, %reduce_sum3A, %reduce_sum3A_23 [1, 2] : vector<1x4096x19xf32> to vector<1xf32>
    %reduce_sum3A_25 = vector.shape_cast %reduce_sum3A_24 : vector<1xf32> to vector<1x1x1xf32>
    %reduce_sum3A_26 = vector.extract %reduce_sum3A_25[0, 0, 0] : f32 from vector<1x1x1xf32>
    %iota3A = tpu.iota {dimensions = array<i32: 1>} : vector<4096x19xi32>
    %broadcast_in_dim3A = vector.shape_cast %or3A : vector<4096xi32> to vector<4096x1xi32>
    %shift_right_arithmetic3A_27 = vector.broadcast %broadcast_in_dim3A : vector<4096x1xi32> to vector<4096x19xi32>
    %shift_right_arithmetic3A_28 = arith.shrsi %shift_right_arithmetic3A_27, %iota3A : vector<4096x19xi32>
    %and3A_29 = arith.constant 1 : i32
    %and3A_30 = vector.broadcast %and3A_29 : i32 to vector<4096x19xi32>
    %and3A_31 = arith.andi %shift_right_arithmetic3A_28, %and3A_30 : vector<4096x19xi32>
    %convert_element_type3A = arith.sitofp %and3A_31 : vector<4096x19xi32> to vector<4096x19xf32>
    %mul3A = arith.mulf %convert_element_type3A, %get3A_16 : vector<4096x19xf32>
    %reduce_sum3A_32 = vector.shape_cast %mul3A : vector<4096x19xf32> to vector<1x4096x19xf32>
    %reduce_sum3A_33 = arith.constant dense<0.000000e+00> : vector<1xf32>
    %reduce_sum3A_34 = vector.multi_reduction <add>, %reduce_sum3A_32, %reduce_sum3A_33 [1, 2] : vector<1x4096x19xf32> to vector<1xf32>
    %reduce_sum3A_35 = vector.shape_cast %reduce_sum3A_34 : vector<1xf32> to vector<1x1x1xf32>
    %reduce_sum3A_36 = vector.extract %reduce_sum3A_35[0, 0, 0] : f32 from vector<1x1x1xf32>
    %neg3A_37 = arith.constant 0.000000e+00 : f32
    %neg3A_38 = arith.subf %neg3A_37, %reduce_sum3A_36 : f32
    %eq3A = arith.constant 0 : i32
    %eq3A_39 = arith.cmpi eq, %arg0, %eq3A : i32
    %convert_element_type3A_40 = arith.extui %eq3A_39 : i1 to i32
    %cond3A = arith.constant 0 : i32
    %cond3A_41 = arith.cmpi ne, %convert_element_type3A_40, %cond3A : i32
    scf.if %cond3A_41 {
      %broadcast_in_dim3A_52 = arith.constant 0.000000e+00 : f32
      %broadcast_in_dim3A_53 = vector.broadcast %broadcast_in_dim3A_52 : f32 to vector<1x1xf32>
      %swap3A_54 = arith.constant 0 : index
      %swap3A_55 = arith.constant 0 : index
      %swap3A_56 = vector.load %arg4[%swap3A_54, %swap3A_55] : memref<1x1xf32, #tpu.memory_space<vmem>>, vector<1x1xf32>
      tpu.vector_store %arg4[%swap3A_54, %swap3A_55], %broadcast_in_dim3A_53 {strides = array<i32>} : memref<1x1xf32, #tpu.memory_space<vmem>>, vector<1x1xf32>,
    } else {
    }
    %get3A_42 = arith.constant 0 : index
    %get3A_43 = arith.constant 0 : index
    %get3A_44 = vector.load %arg4[%get3A_42, %get3A_43] : memref<1x1xf32, #tpu.memory_space<vmem>>, vector<1x1xf32>
    %add3A_45 = arith.addf %reduce_sum3A_26, %neg3A_38 : f32
    %mul3A_46 = arith.constant 8.03094167E-7 : f32
    %mul3A_47 = arith.mulf %add3A_45, %mul3A_46 : f32
    %broadcast_in_dim3A_48 = vector.broadcast %mul3A_47 : f32 to vector<1x1xf32>
    %add3A_49 = arith.addf %get3A_44, %broadcast_in_dim3A_48 : vector<1x1xf32>
    %swap3A = arith.constant 0 : index
    %swap3A_50 = arith.constant 0 : index
    %swap3A_51 = vector.load %arg4[%swap3A, %swap3A_50] : memref<1x1xf32, #tpu.memory_space<vmem>>, vector<1x1xf32>
    tpu.vector_store %arg4[%swap3A, %swap3A_50], %add3A_49 {strides = array<i32>} : memref<1x1xf32, #tpu.memory_space<vmem>>, vector<1x1xf32>,
    return
  }
  func.func @transform_0(%arg0: i32) -> i32 {
    %c0_i32 = arith.constant 0 : i32
    %c0_i32_0 = arith.constant 0 : i32
    return %c0_i32 : i32
  }
  func.func @transform_1(%arg0: i32) -> (i32, i32, i32) {
    %c0_i32 = arith.constant 0 : i32
    %c0_i32_0 = arith.constant 0 : i32
    %c0_i32_1 = arith.constant 0 : i32
    return %arg0, %c0_i32, %c0_i32_0 : i32, i32, i32
  }
  func.func @transform_2(%arg0: i32) -> (i32, i32) {
    %c0_i32 = arith.constant 0 : i32
    %c0_i32_0 = arith.constant 0 : i32
    return %arg0, %c0_i32 : i32, i32
  }
  func.func @transform_3(%arg0: i32) -> (i32, i32) {
    %c0_i32 = arith.constant 0 : i32
    %c0_i32_0 = arith.constant 0 : i32
    %c0_i32_1 = arith.constant 0 : i32
    return %c0_i32, %c0_i32_0 : i32, i32
  }
}

module attributes {stable_mosaic.version = 14 : i64} {
  func.func @_tc_rowor_body(%arg0: i32, %arg1: memref<1x512x512xi32, #tpu.memory_space<vmem>>, %arg2: memref<1x64x512xi32, #tpu.memory_space<vmem>>) attributes {dimension_semantics = [#tpu.dimension_semantics<arbitrary>], iteration_bounds = array<i64: 16>, scalar_prefetch = 0 : i64, scratch_operands = 0 : i64, tpu.core_type = #tpu.core_type<tc>, window_params = [{transform_indices = @transform_0, window_bounds = array<i64: 1, 512, 512>}, {transform_indices = @transform_1, window_bounds = array<i64: 1, 64, 512>}]} {
    %get3A = arith.constant 0 : index
    %get3A_0 = arith.constant 0 : index
    %get3A_1 = arith.constant 0 : index
    %get3A_2 = vector.load %arg1[%get3A, %get3A_0, %get3A_1] : memref<1x512x512xi32, #tpu.memory_space<vmem>>, vector<1x512x512xi32>
    %get3A_3 = vector.shape_cast %get3A_2 : vector<1x512x512xi32> to vector<512x512xi32>
    %shift_left3A = arith.constant 1 : i32
    %shift_left3A_4 = vector.broadcast %shift_left3A : i32 to vector<512x512xi32>
    %shift_left3A_5 = arith.shli %shift_left3A_4, %get3A_3 : vector<512x512xi32>
    %reshape3A = vector.shape_cast %shift_left3A_5 : vector<512x512xi32> to vector<64x8x512xi32>
    %slice3A = vector.extract_strided_slice %reshape3A {offsets = [0, 0, 0], sizes = [64, 1, 512], strides = [1, 1, 1]} : vector<64x8x512xi32> to vector<64x1x512xi32>
    %squeeze3A = vector.shape_cast %slice3A : vector<64x1x512xi32> to vector<64x512xi32>
    %slice3A_6 = vector.extract_strided_slice %reshape3A {offsets = [0, 1, 0], sizes = [64, 1, 512], strides = [1, 1, 1]} : vector<64x8x512xi32> to vector<64x1x512xi32>
    %squeeze3A_7 = vector.shape_cast %slice3A_6 : vector<64x1x512xi32> to vector<64x512xi32>
    %or3A = arith.ori %squeeze3A, %squeeze3A_7 : vector<64x512xi32>
    %slice3A_8 = vector.extract_strided_slice %reshape3A {offsets = [0, 2, 0], sizes = [64, 1, 512], strides = [1, 1, 1]} : vector<64x8x512xi32> to vector<64x1x512xi32>
    %squeeze3A_9 = vector.shape_cast %slice3A_8 : vector<64x1x512xi32> to vector<64x512xi32>
    %slice3A_10 = vector.extract_strided_slice %reshape3A {offsets = [0, 3, 0], sizes = [64, 1, 512], strides = [1, 1, 1]} : vector<64x8x512xi32> to vector<64x1x512xi32>
    %squeeze3A_11 = vector.shape_cast %slice3A_10 : vector<64x1x512xi32> to vector<64x512xi32>
    %or3A_12 = arith.ori %squeeze3A_9, %squeeze3A_11 : vector<64x512xi32>
    %slice3A_13 = vector.extract_strided_slice %reshape3A {offsets = [0, 4, 0], sizes = [64, 1, 512], strides = [1, 1, 1]} : vector<64x8x512xi32> to vector<64x1x512xi32>
    %squeeze3A_14 = vector.shape_cast %slice3A_13 : vector<64x1x512xi32> to vector<64x512xi32>
    %slice3A_15 = vector.extract_strided_slice %reshape3A {offsets = [0, 5, 0], sizes = [64, 1, 512], strides = [1, 1, 1]} : vector<64x8x512xi32> to vector<64x1x512xi32>
    %squeeze3A_16 = vector.shape_cast %slice3A_15 : vector<64x1x512xi32> to vector<64x512xi32>
    %or3A_17 = arith.ori %squeeze3A_14, %squeeze3A_16 : vector<64x512xi32>
    %slice3A_18 = vector.extract_strided_slice %reshape3A {offsets = [0, 6, 0], sizes = [64, 1, 512], strides = [1, 1, 1]} : vector<64x8x512xi32> to vector<64x1x512xi32>
    %squeeze3A_19 = vector.shape_cast %slice3A_18 : vector<64x1x512xi32> to vector<64x512xi32>
    %slice3A_20 = vector.extract_strided_slice %reshape3A {offsets = [0, 7, 0], sizes = [64, 1, 512], strides = [1, 1, 1]} : vector<64x8x512xi32> to vector<64x1x512xi32>
    %squeeze3A_21 = vector.shape_cast %slice3A_20 : vector<64x1x512xi32> to vector<64x512xi32>
    %or3A_22 = arith.ori %squeeze3A_19, %squeeze3A_21 : vector<64x512xi32>
    %or3A_23 = arith.ori %or3A, %or3A_12 : vector<64x512xi32>
    %or3A_24 = arith.ori %or3A_17, %or3A_22 : vector<64x512xi32>
    %or3A_25 = arith.ori %or3A_23, %or3A_24 : vector<64x512xi32>
    %swap3A = arith.constant 0 : index
    %swap3A_26 = arith.constant 0 : index
    %swap3A_27 = arith.constant 0 : index
    %swap3A_28 = vector.load %arg2[%swap3A, %swap3A_26, %swap3A_27] : memref<1x64x512xi32, #tpu.memory_space<vmem>>, vector<1x64x512xi32>
    %swap3A_29 = vector.shape_cast %swap3A_28 : vector<1x64x512xi32> to vector<64x512xi32>
    %swap3A_30 = vector.shape_cast %or3A_25 : vector<64x512xi32> to vector<1x64x512xi32>
    tpu.vector_store %arg2[%swap3A, %swap3A_26, %swap3A_27], %swap3A_30 {strides = array<i32>} : memref<1x64x512xi32, #tpu.memory_space<vmem>>, vector<1x64x512xi32>,
    return
  }
  func.func @transform_0(%arg0: i32) -> (i32, i32, i32) {
    %c0_i32 = arith.constant 0 : i32
    %c0_i32_0 = arith.constant 0 : i32
    %c0_i32_1 = arith.constant 0 : i32
    return %arg0, %c0_i32, %c0_i32_0 : i32, i32, i32
  }
  func.func @transform_1(%arg0: i32) -> (i32, i32, i32) {
    %c0_i32 = arith.constant 0 : i32
    %c0_i32_0 = arith.constant 0 : i32
    %c0_i32_1 = arith.constant 0 : i32
    return %arg0, %c0_i32, %c0_i32_0 : i32, i32, i32
  }
}

</mosaic_0001>

<sc_bundles>
// kernel: kernel.5.cloned.1.call-start
scs
__scs_entry_jumppad:
0x0: {  	(pc) =	sbr.rel $0x88, $3  }
0x1: {  	(tag) =	ssettag $0x0;
	lr =	simm.s32 $0x1  }
0x2: {  	[smem:$0x3F9E] =	sst lr;
	_ =	strace $0xD0000000  }
0x3: {  	_ = 	snop  }
0x4: {  	_ = 	snop  }
0x5: {  	_ = 	snop  }
0x6: {  	_ = 	snop  }
0x7: {  	_ = 	snop  }
__scs_overlays_trampoline_lowered:
0x8: {  	[smem:$0x3FAD] =	sst s0  }
0x9: {  	[smem:$0x3FAE] =	sst s1  }
0xa: {  	[smem:$0x3FAF] =	sst s2  }
0xb: {  	[smem:$0x3FB0] =	sst s3  }
0xc: {  	[smem:$0x3FB1] =	sst s4  }
0xd: {  	[smem:$0x3FB2] =	sst s5  }
0xe: {  	[smem:$0x3FB3] =	sst s6  }
0xf: {  	[smem:$0x3FB4] =	sst s7  }
0x10: {  	[smem:$0x3FB5] =	sst s8  }
0x11: {  	[smem:$0x3FB6] =	sst s9;
	s0 =	simm.s32 @!p0 $0x0  }
0x12: {  	s1 =	sld [smem:$0x3F9C];
	s0 =	simm.s32 @p0 $0x1  }
0x13: {  	[smem:$0x3FB7] =	sst s0;
	s0 =	simm.s32 @!p1 $0x0  }
0x14: {  	s2 =	sld [smem:$0x3F9B];
	s0 =	simm.s32 @p1 $0x1  }
0x15: {  	[smem:$0x3FB8] =	sst s0;
	s0 =	simm.s32 @!p2 $0x0  }
0x16: {  	s3 =	sld [smem:$0x3FDB];
	s0 =	simm.s32 @p2 $0x1  }
0x17: {  	s4 =	simm.s32 $0x1BF5;
	[smem:$0x3FBA] =	sst s0  }
0x18: {  	s0 =	sld [smem:$0x3F9D];
	_ =	swait.ge [sflag:s4], $0x0  }
0x19: {  	s7 =	sld [smem:$0x3F9E]  }
0x1a: {  	s8 =	sadd.s32 $0xFFFFE003, lr  }
0x1b: {  	s9 =	sadd.s32 $0xFFFFFEF7, lr;
	s5 =	simm.s32 $0xFFFFFFFF;
	p2 =	slt.u32 s8, $0xFFFFF086  }
0x1c: {  	p1 =	slt.u32 s9, $0xF7A;
	s5 =	simm.s32 @!p2 $0x0  }
0x1d: {  	s5 =	simm.s32 @p1 $0x1;
	p0 =	seq.s32 s7, s2  }
0x1e: {  	s7 =	smul.u32 @!p0 $0xF7A, s2;
	p2 =	seq.s32 @!p0 s5, $0x0  }
0x1f: {  	s9 =	smul.u32 $0xF7A, s1;
	s8 =	simm.s32 @!p0 $0x1BF5;
	p2 =	por !p2, p0  }
0x20: {  	[sflag:s8] =	ssyncset.s32 @!p0 $0xFFFFF086;
	s6 =	sadd.s32 @!p0 s3, s7;
	s7 =	simm.s32 @!p0 $0x108  }
0x21: {  	s3 =	sadd.s32 s3, s9;
	s6 =	sadd.s32 @!p0 $0x88, s6;
	s7 =	simm.s32 @p2 $0x1082  }
0x22: {  	[simem:s7], [sflag:s8] =	dma.local @!p0 [hbm:s6], $0xF7A  }
0x23: {  	s9 =	sor.u32 $0xD0000000, s2;
	s6 =	simm.s32 $0x108;
	_ =	swait.ge @!p0 [sflag:s8], $0x0  }
0x24: {  	s3 =	sadd.s32 $0x88, s3;
	s6 =	simm.s32 @!p1 $0x1082;
	[sflag:s4] =	ssyncset.s32 $0xFFFFF086  }
0x25: {  	[simem:s6], [sflag:s4] =	dma.local [hbm:s3], $0xF7A  }
0x26: {  	[smem:$0x3F9E] =	sst s1;
	(tag) =	ssettag s2;
	_ =	strace s9  }
0x27: {  	s1 =	sld [smem:$0x3FAE]  }
0x28: {  	s2 =	sld [smem:$0x3FAF]  }
0x29: {  	s4 =	sld [smem:$0x3FB1]  }
0x2a: {  	p0 =	seq.s32 s5, $0x0;
	s5 =	sld [smem:$0x3FB2]  }
0x2b: {  	s6 =	sld [smem:$0x3FB3]  }
0x2c: {  	s7 =	sld [smem:$0x3FB4]  }
0x2d: {  	s3 =	simm.s32 $0x108;
	s8 =	sld [smem:$0x3FB5]  }
0x2e: {  	s3 =	simm.s32 @!p0 $0x1082;
	s9 =	sld [smem:$0x3FB6]  }
0x2f: {  	lr =	sadd.s32 s0, s3;
	s0 =	sld [smem:$0x3FAD]  }
0x30: {  	s3 =	sld [smem:$0x3FB0]  }
0x31: {  	[smem:$0x3FB9] =	sst s10  }
0x32: {  	s10 =	sld [smem:$0x3FB7];
	_ =	sdelay $0x3  }
0x33: {  	p0 =	seq.s32 s10, $0x1;
	s10 =	sld [smem:$0x3FB9];
	_ =	sdelay $0x3  }
0x34: {  	[smem:$0x3FB9] =	sst s10  }
0x35: {  	s10 =	sld [smem:$0x3FB8];
	_ =	sdelay $0x3  }
0x36: {  	p1 =	seq.s32 s10, $0x1;
	s10 =	sld [smem:$0x3FB9];
	_ =	sdelay $0x3  }
0x37: {  	[smem:$0x3FB9] =	sst s10  }
0x38: {  	s10 =	sld [smem:$0x3FBA]  }
0x39: {  	_ = 	snop;
	(pc) =	sbr.ind lr, $3  }
0x3a: {  	_ = 	snop  }
0x3b: {  	_ = 	snop  }
0x3c: {  	p2 =	seq.s32 s10, $0x1;
	s10 =	sld [smem:$0x3FB9]  }
0x3d: {  	_ =	shalt  }
0x3e: {  	_ =	shalt  }
0x3f: {  	_ =	shalt  }
0x40: {  	_ =	shalt  }
0x41: {  	_ =	shalt  }
0x42: {  	_ =	shalt  }
0x43: {  	_ =	shalt  }
0x44: {  	_ =	shalt  }
0x45: {  	_ =	shalt  }
0x46: {  	_ =	shalt  }
0x47: {  	_ =	shalt  }
0x48: {  	_ =	shalt  }
0x49: {  	_ =	shalt  }
0x4a: {  	_ =	shalt  }
0x4b: {  	_ =	shalt  }
0x4c: {  	_ =	shalt  }
0x4d: {  	_ =	shalt  }
0x4e: {  	_ =	shalt  }
0x4f: {  	_ =	shalt  }
0x50: {  	_ =	shalt  }
0x51: {  	_ =	shalt  }
0x52: {  	_ =	shalt  }
0x53: {  	_ =	shalt  }
0x54: {  	_ =	shalt  }
0x55: {  	_ =	shalt  }
0x56: {  	_ =	shalt  }
0x57: {  	_ =	shalt  }
0x58: {  	_ =	shalt  }
0x59: {  	_ =	shalt  }
0x5a: {  	_ =	shalt  }
0x5b: {  	_ =	shalt  }
0x5c: {  	_ =	shalt  }
0x5d: {  	_ =	shalt  }
0x5e: {  	_ =	shalt  }
0x5f: {  	_ =	shalt  }
0x60: {  	_ =	shalt  }
0x61: {  	_ =	shalt  }
0x62: {  	_ =	shalt  }
0x63: {  	_ =	shalt  }
0x64: {  	_ =	shalt  }
0x65: {  	_ =	shalt  }
0x66: {  	_ =	shalt  }
0x67: {  	_ =	shalt  }
0x68: {  	_ =	shalt  }
0x69: {  	_ =	shalt  }
0x6a: {  	_ =	shalt  }
0x6b: {  	_ =	shalt  }
0x6c: {  	_ =	shalt  }
0x6d: {  	_ =	shalt  }
0x6e: {  	_ =	shalt  }
0x6f: {  	_ =	shalt  }
0x70: {  	_ =	shalt  }
0x71: {  	_ =	shalt  }
0x72: {  	_ =	shalt  }
0x73: {  	_ =	shalt  }
0x74: {  	_ =	shalt  }
0x75: {  	_ =	shalt  }
0x76: {  	_ =	shalt  }
0x77: {  	_ =	shalt  }
0x78: {  	_ =	shalt  }
0x79: {  	_ =	shalt  }
0x7a: {  	_ =	shalt  }
0x7b: {  	_ =	shalt  }
0x7c: {  	_ =	shalt  }
0x7d: {  	_ =	shalt  }
0x7e: {  	_ =	shalt  }
0x7f: {  	_ =	shalt  }
0x80: {  	_ =	shalt  }
0x81: {  	_ =	shalt  }
0x82: {  	_ =	shalt  }
0x83: {  	_ =	shalt  }
0x84: {  	_ =	shalt  }
0x85: {  	_ =	shalt  }
0x86: {  	_ =	shalt  }
0x87: {  	_ =	shalt  }
.Lfunc_end0:
.L_simem_size_0:
called_computation_lowered:
.L_overlay_start_0:
0x88: {  	s2 =	sld [smem:$0x3FD9]  }
0x89: {  	s3 =	sld [smem:$0x3FFE];
	_ =	sdelay $0x1  }
0x8a: {  	s1 =	srdreg.scid  }
0x8b: {  	s0 =	sand.u32 $0x1, s1  }
0x8c: {  	s16 =	sshll.u32 s0, $0xA;
	s2 =	sadd.s32 s3, s2  }
0x8d: {  	s2 =	sadd.s32 s2, s16  }
0x8e: {  	[smem:$0x3FC5] =	sst s2  }
0x8f: {  	_ = 	snop  }
0x90: {  	(tm) =	ssettm $0x1  }
0x91: {  	s17 =	sld [smem:$0x3FFB];
	_ =	sdelay $0x3  }
0x92: {  	_ =	strace s17  }
0x93: {  	s2 =	sld [smem:$0x3FFC];
	_ =	sdelay $0x3  }
0x94: {  	_ =	strace s2  }
0x95: {  	s2 =	sld [smem:$0x3FFD];
	_ =	sdelay $0x3  }
0x96: {  	_ =	strace s2  }
0x97: {  	_ =	strace $0x8FFFFFFF  }
0x98: {  	s18 =	sld [smem:$0x3FDB];
	_ =	sdelay $0x1  }
0x99: {  	s19 =	simm.s32 $_scs_section_size  }
0x9a: {  	s4 =	simm.s32 $_size__tile_overlayer_lowered;
	s5 =	simm.s32 $_tile_overlayer_lowered  }
0x9b: {  	s22 =	simm.s32 $0x1BFF;
	s21 =	sshll.u32 s5, $0x1;
	s2 =	sadd.s32 s19, s18  }
0x9c: {  	s6 =	simm.s32 $0x0;
	s20 =	sshll.u32 s4, $0x1;
	s4 =	sadd.s32 s21, s2  }
0x9d: {  	[timem:s6], [sflag:s22] =	dma.local [hbm:s4], s20  }
0x9e: {  	_ =	swait.ge [sflag:s22], s20  }
0x9f: {  	s3 =	ssub.s32 $0x0, s20;
	[sflag:s22] =	ssyncset.done $0x0  }
0xa0: {  	[sflag:s22] =	ssyncadd.s32 s3;
	_ =	sdelay $0x1  }
0xa1: {  	s23 =	simm.s32 $0x1B8B  }
0xa2: {  	_ =	swait.ge [sflag:s23], $0x1  }
0xa3: {  	[sflag:s23] =	ssyncset.done $0x0  }
0xa4: {  	s25 =	simm.s32 $0x1B8E;
	s24 =	sld [smem:$0x3FFE];
	[sflag:s23] =	ssyncadd.s32 $0xFFFFFFFF  }
0xa5: {  	s26 =	simm.s32 $execute0_lowered;
	[smem:$0x3FD2] =	sst s25  }
0xa6: {  	s4 =	sshll.u32 s26, $0x1;
	_ =	strace $0x80000046;
	[dreg:$0x1] =	wrdreg $0xFFFFFFFF  }
0xa7: {  	s28 =	simm.s32 $_size_execute0_lowered;
	s2 =	sadd.s32 s2, s4;
	[dreg:$0x0] =	wrdreg $0x0  }
0xa8: {  	s4 =	sshll.u32 s28, $0x1;
	[dreg:$0x2] =	wrdreg s2  }
0xa9: {  	[dreg:$0x3] =	wrdreg s4  }
0xaa: {  	[dreg:$0x4] =	wrdreg $0xC0  }
0xab: {  	_ =	task [dreg:s6], $0x5FFFF  }
0xac: {  	[dreg:$0x1] =	wrdreg $0xFFFFFFFF  }
0xad: {  	[dreg:$0x0] =	wrdreg $0x60  }
0xae: {  	[dreg:$0x2] =	wrdreg s24  }
0xaf: {  	[dreg:$0x3] =	wrdreg $0x9  }
0xb0: {  	_ =	task.clear_ibuf [dreg:s6], $0x4FFFF;
	_ =	strace $0x90000046  }
0xb1: {  	s29 =	simm.s32 $0x9;
	_ =	strace $0x80000048  }
0xb2: {  	_ =	swait.ge [sflag:s29], $0x1  }
0xb3: {  	[sflag:s29] =	ssyncadd.s32 $0xFFFFFFFF  }
0xb4: {  	_ =	strace $0x90000048  }
0xb5: {  	_ =	sfence  }
0xb6: {  	s30 =	sld [smem:$0x0];
	_ =	sdelay $0x2  }
0xb7: {  	s31 =	sshll.u32 s1, $0xD;
	s1 =	sshrl.u32 s1, $0x2  }
0xb8: {  	s3 =	sand.u32 $0x4000, s31;
	s1 =	sadd.s32 s1, s30  }
0xb9: {  	s0 =	sor.u32 s3, s0;
	s1 =	sshll.u32 s1, $0x11  }
0xba: {  	s0 =	sor.u32 s1, s0  }
0xbb: {  	s0 =	sadd.s32 $0x8F2B, s0  }
0xbc: {  	[sflag:s0] =	ssyncadd.remote.s32 $0x1  }
0xbd: {  	_ =	sfence.sel $0xFFFF  }
0xbe: {  	[dreg:$0x0] =	wrdreg $0xFFFFFFFF;
	(pc) =	sbr.abs _section_cstart, $3  }
0xbf: {  	[dreg:$0x1] =	wrdreg $0xFFFFFFFF  }
0xc0: {  	_ =	task.clear_ibuf [dreg:s6], $0x2FFFF;
	_ =	strace $0x9FFFFFFF  }
0xc1: {  	(tm) =	ssettm $0x7FFFFFFF  }
tec
execute0_lowered:
.L_overlay_start_1:
0x0: {  	(tag) =	ssettag $0x1  }
0x1: {  	v0 =	vimm.s32 $0x5D554C44;
	v1 =	vimm.s32 $0x7F776E66  }
0x2: {  	v2 =	vimm.s32 $0x47F;
	vm9 =	vcmask $0x300;
	vm15 =	vcmask $0x1F10  }
0x3: {  	vm10 =	vcmask $0x704;
	v3 =	vimm.s32 $0x19110800;
	vm11 =	vcmask $0xB08  }
0x4: {  	vm12 =	vcmask $0xF0C;
	v4 =	vimm.s32 $0x3B332A22;
	vm13 =	vcmask $0x1310  }
0x5: {  	vm14 =	vcmask $0x1714;
	vm8 =	vcmask $0x1B18;
	vm7 =	vcmask $0x1F1C  }
0x6: {  	vm0 =	vcmask $0x2320;
	vm1 =	vcmask $0x2724;
	vm2 =	vcmask $0x2B28  }
0x7: {  	vm3 =	vcmask $0x2F2C;
	vm4 =	vcmask $0x3330;
	vm5 =	vcmask $0x3734  }
0x8: {  	vm6 =	vcmask $0x3B38;
	v5 =	vimm.s32 $0x78706F67;
	v6 =	vimm.s32 $0x1A120901  }
0x9: {  	v7 =	vimm.s32 $0x3C342B23;
	v8 =	vimm.s32 $0x5F574E46;
	v9 =	vimm.s32 $0x79716860  }
0xa: {  	v10 =	vimm.s32 $0x1B130A02;
	v11 =	vimm.s32 $0x3D352C24;
	v12 =	vimm.s32 $0x479  }
0xb: {  	v13 =	vimm.s32 $0x7A726961;
	v14 =	vimm.s32 $0x1C140B03;
	v15 =	vimm.s32 $0x3E362D25  }
0xc: {  	v16 =	vimm.s32 $0x59514840;
	v17 =	vimm.s32 $0x7B736A62;
	v18 =	vimm.s32 $0x1D150C04  }
0xd: {  	v19 =	vimm.s32 $0x3F372E26;
	v20 =	vimm.s32 $0x47B;
	v21 =	vimm.s32 $0x7C746B63  }
0xe: {  	v22 =	vimm.s32 $0x1E160D05;
	v23 =	vimm.s32 $0x38302F27;
	v24 =	vimm.s32 $0x5B534A42  }
0xf: {  	v25 =	vimm.s32 $0x7D756C64;
	v26 =	vimm.s32 $0x1F170E06;
	v27 =	vimm.s32 $0x39312820  }
0x10: {  	v28 =	vimm.s32 $0x47D;
	v56 =	vimm.s32 $0x87D;
	v57 =	vimm.s32 $0x5C544B43  }
0x11: {  	v29 =	vimm.s32 $0x7E766D65;
	v58 =	vimm.s32 $0x18100F07;
	v30 =	vimm.s32 $0x3A322921  }
0x12: {  	v59 =	vimm.s32 $0x47E;
	v60 =	vimm.s32 $0x87E;
	v31 =	vimm.s32 $0xC7E  }
0x13: {  	v0 =	vunpack.c.0.s8.s32 v0;
	v1 =	vunpack.c.0.s8.s32 v1;
	v2 =	vsel vm9, $0x400, v2  }
0x14: {  	v3 =	vunpack.c.0.s8.s32 v3;
	v4 =	vunpack.c.0.s8.s32 v4;
	v5 =	vunpack.c.0.s8.s32 v5  }
0x15: {  	v6 =	vunpack.c.0.s8.s32 v6;
	v7 =	vunpack.c.0.s8.s32 v7;
	v8 =	vunpack.c.0.s8.s32 v8  }
0x16: {  	v9 =	vunpack.c.0.s8.s32 v9;
	v10 =	vunpack.c.0.s8.s32 v10;
	v11 =	vunpack.c.0.s8.s32 v11  }
0x17: {  	v13 =	vunpack.c.0.s8.s32 v13;
	v14 =	vunpack.c.0.s8.s32 v14;
	v15 =	vunpack.c.0.s8.s32 v15  }
0x18: {  	v16 =	vunpack.c.0.s8.s32 v16;
	v17 =	vunpack.c.0.s8.s32 v17;
	v18 =	vunpack.c.0.s8.s32 v18  }
0x19: {  	v19 =	vunpack.c.0.s8.s32 v19;
	v21 =	vunpack.c.0.s8.s32 v21;
	v22 =	vunpack.c.0.s8.s32 v22  }
0x1a: {  	v23 =	vunpack.c.0.s8.s32 v23;
	v24 =	vunpack.c.0.s8.s32 v24;
	v25 =	vunpack.c.0.s8.s32 v25  }
0x1b: {  	v26 =	vunpack.c.0.s8.s32 v26;
	v27 =	vunpack.c.0.s8.s32 v27;
	v28 =	vsel vm9, $0x406, v28  }
0x1c: {  	v29 =	vunpack.c.0.s8.s32 v29;
	v31 =	vsel vm9, $0xC07, v31;
	v2 =	vsel vm10, $0x408, v2  }
0x1d: {  	v30 =	vunpack.c.0.s8.s32 v30;
	v31 =	vsel vm10, $0xC0F, v31;
	v2 =	vsel vm11, $0x411, v2  }
0x1e: {  	v0 =	vsel vm15, v1, v0;
	v8 =	vsel vm15, v9, v8;
	v9 =	vsel vm9, $0x402, v12  }
0x1f: {  	v12 =	vimm.s32 $0x879;
	v10 =	vsel vm15, v11, v10;
	v14 =	vsel vm15, v15, v14  }
0x20: {  	v15 =	vimm.s32 $0x87A;
	v16 =	vsel vm15, v17, v16;
	v17 =	vsel vm9, $0x404, v20  }
0x21: {  	v18 =	vsel vm15, v19, v18;
	v19 =	vimm.s32 $0x87B;
	v20 =	vimm.s32 $0x5A524941  }
0x22: {  	v24 =	vsel vm15, v25, v24;
	v25 =	vsel vm10, $0x40E, v28;
	v26 =	vsel vm15, v27, v26  }
0x23: {  	v27 =	vsel vm9, $0x806, v56;
	v28 =	vunpack.c.0.s8.s32 v57;
	v31 =	vsel vm11, $0xC10, v31  }
0x24: {  	v2 =	vsel vm12, $0x419, v2;
	v9 =	vsel vm10, $0x40A, v9;
	v11 =	vsel vm9, $0x802, v12  }
0x25: {  	v12 =	vimm.s32 $0x58504F47;
	v17 =	vsel vm10, $0x40C, v17;
	v20 =	vunpack.c.0.s8.s32 v20  }
0x26: {  	v25 =	vsel vm11, $0x417, v25;
	v31 =	vsel vm12, $0xC18, v31;
	v2 =	vsel vm13, $0x422, v2  }
0x27: {  	v9 =	vsel vm11, $0x413, v9;
	v12 =	vunpack.c.0.s8.s32 v12;
	v17 =	vsel vm11, $0x415, v17  }
0x28: {  	v25 =	vsel vm12, $0x41F, v25;
	v28 =	vsel vm15, v29, v28;
	v29 =	vunpack.c.0.s8.s32 v58  }
0x29: {  	v31 =	vsel vm13, $0xC21, v31;
	v1 =	vsel vm14, $0x42A, v2;
	v2 =	vsel vm15, v4, v3  }
0x2a: {  	v3 =	vimm.s32 $0xC7F;
	v4 =	vimm.s32 $0x5E564D45;
	v9 =	vsel vm12, $0x41B, v9  }
0x2b: {  	v17 =	vsel vm12, $0x41D, v17;
	v20 =	vsel vm15, v21, v20;
	v21 =	vsel vm15, v23, v22  }
0x2c: {  	v22 =	vimm.s32 $0x47C;
	v23 =	vimm.s32 $0x87C;
	v25 =	vsel vm13, $0x420, v25  }
0x2d: {  	v31 =	vsel vm14, $0xC29, v31;
	v1 =	vsel vm8, $0x433, v1;
	v62 =	vcombine.low v2, v0  }
0x2e: {  	v2 =	vimm.s32 $0x87F;
	v3 =	vsel vm9, $0xC00, v3;
	v4 =	vunpack.c.0.s8.s32 v4  }
0x2f: {  	v9 =	vsel vm13, $0x424, v9;
	v12 =	vsel vm15, v13, v12;
	v13 =	vimm.s32 $0x47A  }
0x30: {  	v17 =	vsel vm13, $0x426, v17;
	v25 =	vsel vm14, $0x428, v25;
	v29 =	vsel vm15, v30, v29  }
0x31: {  	v30 =	vsel vm9, $0x807, v60;
	v31 =	vsel vm8, $0xC32, v31;
	v1 =	vsel vm7, $0x43B, v1  }
0x32: {  	v2 =	vsel vm9, $0x800, v2;
	v3 =	vsel vm10, $0xC08, v3;
	v9 =	vsel vm14, $0x42C, v9  }
0x33: {  	v13 =	vsel vm9, $0x403, v13;
	v17 =	vsel vm14, $0x42E, v17;
	v25 =	vsel vm8, $0x431, v25  }
0x34: {  	v30 =	vsel vm10, $0x80F, v30;
	v31 =	vsel vm7, $0xC3A, v31;
	v1 =	vsel vm0, $0x444, v1  }
0x35: {  	v2 =	vsel vm10, $0x808, v2;
	v3 =	vsel vm11, $0xC11, v3;
	v4 =	vsel vm15, v5, v4  }
0x36: {  	v5 =	vsel vm15, v7, v6;
	v6 =	vimm.s32 $0x478;
	v7 =	vimm.s32 $0xC78  }
0x37: {  	v9 =	vsel vm8, $0x435, v9;
	v13 =	vsel vm10, $0x40B, v13;
	v17 =	vsel vm8, $0x437, v17  }
0x38: {  	v25 =	vsel vm7, $0x439, v25;
	v30 =	vsel vm11, $0x810, v30;
	v31 =	vsel vm0, $0xC43, v31  }
0x39: {  	v1 =	vsel vm1, $0x44C, v1;
	v2 =	vsel vm11, $0x811, v2;
	v3 =	vsel vm12, $0xC19, v3  }
0x3a: {  	v61 =	vcombine.low v5, v4;
	v5 =	vsel vm9, $0x401, v6;
	v6 =	vimm.s32 $0x878  }
0x3b: {  	v7 =	vsel vm9, $0xC01, v7;
	v9 =	vsel vm7, $0x43D, v9;
	v13 =	vsel vm11, $0x414, v13  }
0x3c: {  	v17 =	vsel vm7, $0x43F, v17;
	v25 =	vsel vm0, $0x442, v25;
	v30 =	vsel vm12, $0x818, v30  }
0x3d: {  	v31 =	vsel vm1, $0xC4B, v31;
	v2 =	vsel vm12, $0x819, v2;
	v1 =	vsel vm2, $0x455, v1  }
0x3e: {  	v3 =	vsel vm13, $0xC22, v3;
	v5 =	vsel vm10, $0x409, v5;
	v6 =	vsel vm9, $0x801, v6  }
0x3f: {  	v7 =	vsel vm10, $0xC09, v7;
	v9 =	vsel vm0, $0x446, v9;
	v13 =	vsel vm12, $0x41C, v13  }
0x40: {  	v17 =	vsel vm0, $0x440, v17;
	v25 =	vsel vm1, $0x44A, v25;
	v30 =	vsel vm13, $0x821, v30  }
0x41: {  	v31 =	vsel vm2, $0xC54, v31;
	v2 =	vsel vm13, $0x822, v2;
	v3 =	vsel vm14, $0xC2A, v3  }
0x42: {  	v1 =	vsel vm3, $0x45D, v1;
	v5 =	vsel vm11, $0x412, v5;
	v6 =	vsel vm10, $0x809, v6  }
0x43: {  	v7 =	vsel vm11, $0xC12, v7;
	v9 =	vsel vm1, $0x44E, v9;
	v13 =	vsel vm13, $0x425, v13  }
0x44: {  	v17 =	vsel vm1, $0x448, v17;
	v25 =	vsel vm2, $0x453, v25;
	v30 =	vsel vm14, $0x829, v30  }
0x45: {  	v31 =	vsel vm3, $0xC5C, v31;
	v2 =	vsel vm14, $0x82A, v2;
	v3 =	vsel vm8, $0xC33, v3  }
0x46: {  	v1 =	vsel vm4, $0x466, v1;
	v5 =	vsel vm12, $0x41A, v5;
	v6 =	vsel vm11, $0x812, v6  }
0x47: {  	v7 =	vsel vm12, $0xC1A, v7;
	v9 =	vsel vm2, $0x457, v9;
	v13 =	vsel vm14, $0x42D, v13  }
0x48: {  	v17 =	vsel vm2, $0x451, v17;
	v25 =	vsel vm3, $0x45B, v25;
	v30 =	vsel vm8, $0x832, v30  }
0x49: {  	v31 =	vsel vm4, $0xC65, v31;
	v2 =	vsel vm8, $0x833, v2;
	v3 =	vsel vm7, $0xC3B, v3  }
0x4a: {  	v1 =	vsel vm5, $0x46E, v1;
	v5 =	vsel vm13, $0x423, v5;
	v6 =	vsel vm12, $0x81A, v6  }
0x4b: {  	v7 =	vsel vm13, $0xC23, v7;
	v9 =	vsel vm3, $0x45F, v9;
	v13 =	vsel vm8, $0x436, v13  }
0x4c: {  	v17 =	vsel vm3, $0x459, v17;
	v25 =	vsel vm4, $0x464, v25;
	v30 =	vsel vm7, $0x83A, v30  }
0x4d: {  	v31 =	vsel vm5, $0xC6D, v31;
	v2 =	vsel vm7, $0x83B, v2;
	v3 =	vsel vm0, $0xC44, v3  }
0x4e: {  	v63 =	vsel vm6, $0x477, v1;
	v5 =	vsel vm14, $0x42B, v5;
	v6 =	vsel vm13, $0x823, v6  }
0x4f: {  	v7 =	vsel vm14, $0xC2B, v7;
	v9 =	vsel vm4, $0x460, v9;
	v13 =	vsel vm7, $0x43E, v13  }
0x50: {  	v17 =	vsel vm4, $0x462, v17;
	v25 =	vsel vm5, $0x46C, v25;
	v30 =	vsel vm0, $0x843, v30  }
0x51: {  	v2 =	vsel vm0, $0x844, v2;
	v3 =	vsel vm1, $0xC4C, v3;
	v5 =	vsel vm8, $0x434, v5  }
0x52: {  	v6 =	vsel vm14, $0x82B, v6;
	v7 =	vsel vm8, $0xC34, v7;
	v9 =	vsel vm5, $0x468, v9  }
0x53: {  	v13 =	vsel vm0, $0x447, v13;
	v17 =	vsel vm5, $0x46A, v17;
	v30 =	vsel vm1, $0x84B, v30  }
0x54: {  	v2 =	vsel vm1, $0x84C, v2;
	v3 =	vsel vm2, $0xC55, v3;
	v5 =	vsel vm7, $0x43C, v5  }
0x55: {  	v6 =	vsel vm8, $0x834, v6;
	v7 =	vsel vm7, $0xC3C, v7;
	v13 =	vsel vm1, $0x44F, v13  }
0x56: {  	v30 =	vsel vm2, $0x854, v30;
	v2 =	vsel vm2, $0x855, v2;
	v3 =	vsel vm3, $0xC5D, v3  }
0x57: {  	v5 =	vsel vm0, $0x445, v5;
	v6 =	vsel vm7, $0x83C, v6;
	v7 =	vsel vm0, $0xC45, v7  }
0x58: {  	v13 =	vsel vm2, $0x450, v13;
	v30 =	vsel vm3, $0x85C, v30;
	v2 =	vsel vm3, $0x85D, v2  }
0x59: {  	v3 =	vsel vm4, $0xC66, v3;
	v5 =	vsel vm1, $0x44D, v5;
	v6 =	vsel vm0, $0x845, v6  }
0x5a: {  	v7 =	vsel vm1, $0xC4D, v7;
	v13 =	vsel vm3, $0x458, v13;
	v30 =	vsel vm4, $0x865, v30  }
0x5b: {  	v2 =	vsel vm4, $0x866, v2;
	v3 =	vsel vm5, $0xC6E, v3;
	v5 =	vsel vm2, $0x456, v5  }
0x5c: {  	v6 =	vsel vm1, $0x84D, v6;
	v7 =	vsel vm2, $0xC56, v7;
	v13 =	vsel vm4, $0x461, v13  }
0x5d: {  	v30 =	vsel vm5, $0x86D, v30;
	v2 =	vsel vm5, $0x86E, v2;
	v1 =	vsel vm6, $0xC77, v3  }
0x5e: {  	v5 =	vsel vm3, $0x45E, v5;
	v6 =	vsel vm2, $0x856, v6;
	v7 =	vsel vm3, $0xC5E, v7  }
0x5f: {  	v13 =	vsel vm5, $0x469, v13;
	v0 =	vsel vm6, $0x877, v2;
	v5 =	vsel vm4, $0x467, v5  }
0x60: {  	v6 =	vsel vm3, $0x85E, v6;
	v7 =	vsel vm4, $0xC67, v7;
	v2 =	vsel vm6, $0x471, v9  }
0x61: {  	v9 =	vcombine.low v14, v12;
	v14 =	vsel vm9, $0x803, v15;
	v15 =	vimm.s32 $0xC7A  }
0x62: {  	v5 =	vsel vm5, $0x46F, v5;
	v6 =	vsel vm4, $0x867, v6;
	v7 =	vsel vm5, $0xC6F, v7  }
0x63: {  	v14 =	vsel vm10, $0x80B, v14;
	v15 =	vsel vm9, $0xC03, v15;
	v5 =	vsel vm6, $0x470, v5  }
0x64: {  	v4 =	vmovc v1;
	v6 =	vsel vm5, $0x86F, v6;
	v1 =	vsel vm6, $0xC70, v7;
	v14 =	vsel vm11, $0x814, v14  }
0x65: {  	v3 =	vmovc v0;
	v15 =	vsel vm10, $0xC0B, v15;
	v0 =	vsel vm6, $0x870, v6;
	v6 =	vcombine.low v10, v8  }
0x66: {  	v10 =	vsel vm10, $0x80A, v11;
	v11 =	vimm.s32 $0xC79;
	v14 =	vsel vm12, $0x81C, v14  }
0x67: {  	v15 =	vsel vm11, $0xC14, v15;
	v10 =	vsel vm11, $0x813, v10;
	v11 =	vsel vm9, $0xC02, v11  }
0x68: {  	v14 =	vsel vm13, $0x825, v14;
	v15 =	vsel vm12, $0xC1C, v15;
	v10 =	vsel vm12, $0x81B, v10  }
0x69: {  	v11 =	vsel vm10, $0xC0A, v11;
	v14 =	vsel vm14, $0x82D, v14;
	v10 =	vsel vm13, $0x824, v10  }
0x6a: {  	v15 =	vsel vm13, $0xC25, v15;
	v11 =	vsel vm11, $0xC13, v11;
	v10 =	vsel vm14, $0x82C, v10  }
0x6b: {  	v14 =	vsel vm8, $0x836, v14;
	v15 =	vsel vm14, $0xC2D, v15;
	v10 =	vsel vm8, $0x835, v10  }
0x6c: {  	v11 =	vsel vm12, $0xC1B, v11;
	v14 =	vsel vm7, $0x83E, v14;
	v10 =	vsel vm7, $0x83D, v10  }
0x6d: {  	v15 =	vsel vm8, $0xC36, v15;
	v11 =	vsel vm13, $0xC24, v11;
	v10 =	vsel vm0, $0x846, v10  }
0x6e: {  	v14 =	vsel vm0, $0x847, v14;
	v15 =	vsel vm7, $0xC3E, v15;
	v10 =	vsel vm1, $0x84E, v10  }
0x6f: {  	v11 =	vsel vm14, $0xC2C, v11;
	v14 =	vsel vm1, $0x84F, v14;
	v10 =	vsel vm2, $0x857, v10  }
0x70: {  	v15 =	vsel vm0, $0xC47, v15;
	v11 =	vsel vm8, $0xC35, v11;
	v10 =	vsel vm3, $0x85F, v10  }
0x71: {  	v14 =	vsel vm2, $0x850, v14;
	v15 =	vsel vm1, $0xC4F, v15;
	v10 =	vsel vm4, $0x860, v10  }
0x72: {  	v11 =	vsel vm7, $0xC3D, v11;
	v14 =	vsel vm3, $0x858, v14;
	v10 =	vsel vm5, $0x868, v10  }
0x73: {  	v15 =	vsel vm2, $0xC50, v15;
	v11 =	vsel vm0, $0xC46, v11;
	v7 =	vsel vm6, $0x871, v10  }
0x74: {  	v10 =	vsel vm6, $0x472, v13;
	v13 =	vcombine.low v18, v16;
	v18 =	vsel vm9, $0x804, v19  }
0x75: {  	v14 =	vsel vm4, $0x861, v14;
	v19 =	vimm.s32 $0xC7B;
	v18 =	vsel vm10, $0x80C, v18  }
0x76: {  	v15 =	vsel vm3, $0xC58, v15;
	v19 =	vsel vm9, $0xC04, v19;
	v18 =	vsel vm11, $0x815, v18  }
0x77: {  	v11 =	vsel vm1, $0xC4E, v11;
	v19 =	vsel vm10, $0xC0C, v19;
	v18 =	vsel vm12, $0x81D, v18  }
0x78: {  	v14 =	vsel vm5, $0x869, v14;
	v19 =	vsel vm11, $0xC15, v19;
	v18 =	vsel vm13, $0x826, v18  }
0x79: {  	v15 =	vsel vm4, $0xC61, v15;
	v19 =	vsel vm12, $0xC1D, v19;
	v18 =	vsel vm14, $0x82E, v18  }
0x7a: {  	v11 =	vsel vm2, $0xC57, v11;
	v19 =	vsel vm13, $0xC26, v19;
	v18 =	vsel vm8, $0x837, v18  }
0x7b: {  	v15 =	vsel vm5, $0xC69, v15;
	v19 =	vsel vm14, $0xC2E, v19;
	v18 =	vsel vm7, $0x83F, v18  }
0x7c: {  	v11 =	vsel vm3, $0xC5F, v11;
	v19 =	vsel vm8, $0xC37, v19;
	v18 =	vsel vm0, $0x840, v18  }
0x7d: {  	v12 =	vsel vm6, $0xC72, v15;
	v19 =	vsel vm7, $0xC3F, v19;
	v18 =	vsel vm1, $0x848, v18  }
0x7e: {  	v11 =	vsel vm4, $0xC60, v11;
	v19 =	vsel vm0, $0xC40, v19;
	v18 =	vsel vm2, $0x851, v18  }
0x7f: {  	v11 =	vsel vm5, $0xC68, v11;
	v19 =	vsel vm1, $0xC48, v19;
	v18 =	vsel vm3, $0x859, v18  }
0x80: {  	v8 =	vsel vm6, $0xC71, v11;
	v19 =	vsel vm2, $0xC51, v19;
	v18 =	vsel vm4, $0x862, v18  }
0x81: {  	v11 =	vsel vm6, $0x872, v14;
	v19 =	vsel vm3, $0xC59, v19;
	v18 =	vsel vm5, $0x86A, v18  }
0x82: {  	v14 =	vsel vm6, $0x473, v17;
	v19 =	vsel vm4, $0xC62, v19;
	v15 =	vsel vm6, $0x873, v18  }
0x83: {  	v18 =	vcombine.low v26, v24;
	v26 =	vsel vm10, $0x80E, v27;
	v27 =	vimm.s32 $0xC7D  }
0x84: {  	v19 =	vsel vm5, $0xC6A, v19;
	v24 =	vsel vm6, $0x876, v30;
	v27 =	vsel vm9, $0xC06, v27  }
0x85: {  	[tilespmem:$0x1FF70] =	vst v15;
	v15 =	vsel vm6, $0xC73, v19;
	v26 =	vsel vm11, $0x817, v26;
	v27 =	vsel vm10, $0xC0E, v27  }
0x86: {  	[tilespmem:$0x1FF80] =	vst v15;
	v15 =	vcombine.low v21, v20;
	v26 =	vsel vm12, $0x81F, v26;
	v27 =	vsel vm11, $0xC17, v27  }
0x87: {  	v21 =	vsel vm9, $0x405, v22;
	v26 =	vsel vm13, $0x820, v26;
	v27 =	vsel vm12, $0xC1F, v27  }
0x88: {  	v22 =	vsel vm9, $0x805, v23;
	v26 =	vsel vm14, $0x828, v26;
	v27 =	vsel vm13, $0xC20, v27  }
0x89: {  	v23 =	vimm.s32 $0xC7C;
	v26 =	vsel vm8, $0x831, v26;
	v27 =	vsel vm14, $0xC28, v27  }
0x8a: {  	v21 =	vsel vm10, $0x40D, v21;
	v26 =	vsel vm7, $0x839, v26;
	v27 =	vsel vm8, $0xC31, v27  }
0x8b: {  	v22 =	vsel vm10, $0x80D, v22;
	v26 =	vsel vm0, $0x842, v26;
	v27 =	vsel vm7, $0xC39, v27  }
0x8c: {  	v23 =	vsel vm9, $0xC05, v23;
	v26 =	vsel vm1, $0x84A, v26;
	v27 =	vsel vm0, $0xC42, v27  }
0x8d: {  	v21 =	vsel vm11, $0x416, v21;
	v26 =	vsel vm2, $0x853, v26;
	v27 =	vsel vm1, $0xC4A, v27  }
0x8e: {  	v22 =	vsel vm11, $0x816, v22;
	v26 =	vsel vm3, $0x85B, v26;
	v27 =	vsel vm2, $0xC53, v27  }
0x8f: {  	v23 =	vsel vm10, $0xC0D, v23;
	v26 =	vsel vm4, $0x864, v26;
	v27 =	vsel vm3, $0xC5B, v27  }
0x90: {  	v21 =	vsel vm12, $0x41E, v21;
	v26 =	vsel vm5, $0x86C, v26;
	v27 =	vsel vm4, $0xC64, v27  }
0x91: {  	v22 =	vsel vm12, $0x81E, v22;
	v19 =	vsel vm6, $0x875, v26;
	v27 =	vsel vm5, $0xC6C, v27  }
0x92: {  	v23 =	vsel vm11, $0xC16, v23;
	v21 =	vsel vm13, $0x427, v21;
	[tilespmem:$0x1FF90] =	vst v19;
	v19 =	vsel vm6, $0xC75, v27  }
0x93: {  	v22 =	vsel vm13, $0x827, v22;
	[tilespmem:$0x1FFA0] =	vst v19;
	v19 =	vcombine.low v29, v28;
	v29 =	vsel vm9, $0x407, v59  }
0x94: {  	v23 =	vsel vm12, $0xC1E, v23;
	v21 =	vsel vm14, $0x42F, v21;
	v29 =	vsel vm10, $0x40F, v29  }
0x95: {  	v22 =	vsel vm14, $0x82F, v22;
	v23 =	vsel vm13, $0xC27, v23;
	v29 =	vsel vm11, $0x410, v29  }
0x96: {  	v21 =	vsel vm8, $0x430, v21;
	v22 =	vsel vm8, $0x830, v22;
	v29 =	vsel vm12, $0x418, v29  }
0x97: {  	v23 =	vsel vm14, $0xC2F, v23;
	v21 =	vsel vm7, $0x438, v21;
	v29 =	vsel vm13, $0x421, v29  }
0x98: {  	v22 =	vsel vm7, $0x838, v22;
	v23 =	vsel vm8, $0xC30, v23;
	v29 =	vsel vm14, $0x429, v29  }
0x99: {  	v21 =	vsel vm0, $0x441, v21;
	v22 =	vsel vm0, $0x841, v22;
	v29 =	vsel vm8, $0x432, v29  }
0x9a: {  	v23 =	vsel vm7, $0xC38, v23;
	v21 =	vsel vm1, $0x449, v21;
	v29 =	vsel vm7, $0x43A, v29  }
0x9b: {  	s3 =	rddreg [dreg:$0x0];
	v22 =	vsel vm1, $0x849, v22;
	v21 =	vsel vm2, $0x452, v21;
	v29 =	vsel vm0, $0x443, v29  }
0x9c: {  	s0 =	rddreg [dreg:$0x1];
	v23 =	vsel vm0, $0xC41, v23;
	v21 =	vsel vm3, $0x45A, v21;
	v29 =	vsel vm1, $0x44B, v29  }
0x9d: {  	s2 =	simm.s32 $0x0;
	s4 =	srdreg.scid;
	s1 =	stileid.u32;
	v22 =	vsel vm2, $0x852, v22;
	v21 =	vsel vm4, $0x463, v21;
	v29 =	vsel vm2, $0x454, v29  }
0x9e: {  	[smem:$0x7FF] =	sst s2;
	s4 =	sand.u32 $0x1, s4;
	s5 =	sshll.u32 s1, $0x1;
	v23 =	vsel vm1, $0xC49, v23;
	v21 =	vsel vm5, $0x46B, v21;
	v29 =	vsel vm3, $0x45C, v29  }
0x9f: {  	s8 =	simm.s32 $0x0;
	s5 =	sor.u32 s4, s5;
	v23 =	vsel vm2, $0xC52, v23;
	v16 =	vsel vm6, $0x474, v21;
	_ =	strace $0x80000047;
	[tilespmem:$0x1FFD0] =	vst v15;
	v29 =	vsel vm4, $0x465, v29  }
0xa0: {  	s4 =	ssub.s32 $0x2, s4;
	s6 =	sshll.u32 s5, $0xB;
	s5 =	sshll.u32 s5, $0x8;
	v22 =	vsel vm3, $0x85A, v22;
	v23 =	vsel vm3, $0xC5A, v23;
	[tilespmem:$0x1FFE0] =	vst v16;
	v29 =	vsel vm5, $0x46D, v29  }
0xa1: {  	s7 =	sshrl.u32 s4, $0x1;
	s6 =	sadd.s32 s6, s3;
	s5 =	sadd.s32 s5, s3;
	v22 =	vsel vm4, $0x863, v22;
	v23 =	vsel vm4, $0xC63, v23;
	[tilespmem:$0x1FFF0] =	vst v18;
	v20 =	vsel vm6, $0x476, v29  }
0xa2: {  	s7 =	ssub.s32 s4, s7;
	s3 =	sadd.s32 $0xC00, s6;
	s4 =	sadd.s32 $0x10C00, s5;
	v22 =	vsel vm5, $0x86B, v22;
	v23 =	vsel vm5, $0xC6B, v23;
	[tilespmem:$0x1FFB0] =	vst v20;
	v20 =	vsel vm6, $0xC76, v31  }
0xa3: {  	s5 =	smax.u32 s7, $0x1;
	s6 =	simm.s32 $0x1;
	s7 =	simm.s32 $0x4000;
	v21 =	vsel vm6, $0x874, v22;
	v22 =	vsel vm6, $0x475, v25;
	v17 =	vsel vm6, $0xC74, v23;
	[tilespmem:$0x1FFC0] =	vst v20  }
.LBB2_1:
0xa4: {  	v32 =	vmov s2  }
0xa5: {  	v33 =	vshll.u32 v32, $0x9;
	v32 =	vshll.u32 v32, $0x7  }
0xa6: {  	[tilespmem:s2], [sflag:$0x1] =	stream.linear.gather [hbm4b:s3+s2], $0x4000, $0x38;
	v33 =	vand.u32 $0x3000, v33;
	v32 =	vand.u32 $0x380, v32;
	[tilespmem:$0x4800] =	vst v63  }
0xa7: {  	_ =	swait.ge [sflag:s6], $0x4000;
	v32 =	vor.u32 v32, v33  }
0xa8: {  	v25 =	vmov v21;
	v21 =	vld [tilespmem:$0x1FF70];
	v34 =	vor.u32 v62, v32  }
0xa9: {  	v28 =	vmovc v22;
	v22 =	vld [tilespmem:$0x1FF80];
	v35 =	vor.u32 v10, v32;
	v40 =	vor.u32 v63, v32;
	v37 =	vor.u32 v3, v32  }
0xaa: {  	v29 =	vld [tilespmem:$0x1FF90];
	v44 =	vor.u32 v8, v32;
	v38 =	vor.u32 v4, v32;
	v33 =	vor.u32 v18, v32  }
0xab: {  	v31 =	vmovc v19;
	v30 =	vld [tilespmem:$0x1FFA0];
	v51 =	vor.u32 v0, v32;
	v43 =	vor.u32 v5, v32;
	v49 =	vor.u32 v6, v32  }
0xac: {  	v20 =	vmovc v14;
	[sflag:s6] =	ssyncset.done $0x0;
	v23 =	vld [tilespmem:$0x1FFB0];
	v48 =	vor.u32 v2, v32;
	v39 =	vor.u32 v13, v32;
	v50 =	vor.u32 v7, v32  }
0xad: {  	v26 =	vmovc v17;
	v27 =	vld [tilespmem:$0x1FFC0];
	[sflag:s6] =	ssyncadd.s32 $0xFFFFC000;
	v45 =	vor.u32 v9, v32;
	v52 =	vor.u32 v11, v32;
	v41 =	vor.u32 v14, v32  }
0xae: {  	v53 =	vor.u32 v12, v32;
	v36 =	vor.u32 v16, v32;
	v46 =	vor.u32 v15, v32;
	v42 =	vld.idx.msk [tilespmem:v34+s2+$0x0], $0xffff  }
0xaf: {  	v55 =	vor.u32 v1, v32;
	v54 =	vor.u32 v61, v32;
	v15 =	vmovc v9;
	v9 =	vmov v0;
	v47 =	vld.idx.msk [tilespmem:v35+s2+$0x0], $0xffff  }
0xb0: {  	v16 =	vmovc v10;
	v10 =	vmovc v1;
	v18 =	vmov v12;
	v12 =	vmov v2;
	v34 =	vor.u32 v17, v32;
	v44 =	vld.idx.msk [tilespmem:v44+s2+$0x0], $0xffff  }
0xb1: {  	s10 =	simm.s32 $0x4020;
	s11 =	simm.s32 $0x1;
	s9 =	simm.s32 $0x4020;
	v14 =	vmovc v8;
	v35 =	vor.u32 v19, v32;
	v51 =	vld.idx.msk [tilespmem:v51+s2+$0x0], $0xffff;
	v19 =	vmovc v13;
	v13 =	vmov v7;
	v17 =	vmov v11  }
.LBB2_2:
0xb2: {  	_ =	sdelay $0x2  }
0xb3: {  	v55 =	vld.idx.msk [tilespmem:v55+s2+$0x0], $0xffff  }
0xb4: {  	v49 =	vld.idx.msk [tilespmem:v49+s2+$0x0], $0xffff  }
0xb5: {  	v53 =	vld.idx.msk [tilespmem:v53+s2+$0x0], $0xffff  }
0xb6: {  	v40 =	vld.idx.msk [tilespmem:v40+s2+$0x0], $0xffff  }
0xb7: {  	v48 =	vld.idx.msk [tilespmem:v48+s2+$0x0], $0xffff  }
0xb8: {  	v50 =	vld.idx.msk [tilespmem:v50+s2+$0x0], $0xffff  }
0xb9: {  	v52 =	vld.idx.msk [tilespmem:v52+s2+$0x0], $0xffff  }
0xba: {  	v43 =	vld.idx.msk [tilespmem:v43+s2+$0x0], $0xffff  }
0xbb: {  	v38 =	vld.idx.msk [tilespmem:v38+s2+$0x0], $0xffff  }
0xbc: {  	v37 =	vld.idx.msk [tilespmem:v37+s2+$0x0], $0xffff  }
0xbd: {  	v54 =	vld.idx.msk [tilespmem:v54+s2+$0x0], $0xffff  }
0xbe: {  	v45 =	vld.idx.msk [tilespmem:v45+s2+$0x0], $0xffff  }
0xbf: {  	v39 =	vld.idx.msk [tilespmem:v39+s2+$0x0], $0xffff  }
0xc0: {  	v56 =	vor.u32 v27, v32;
	v41 =	vld.idx.msk [tilespmem:v41+s2+$0x0], $0xffff  }
0xc1: {  	v57 =	vor.u32 v23, v32;
	v46 =	vld.idx.msk [tilespmem:v46+s2+$0x0], $0xffff  }
0xc2: {  	v36 =	vld.idx.msk [tilespmem:v36+s2+$0x0], $0xffff  }
0xc3: {  	v7 =	vmov v61;
	v61 =	vor.u32 v21, v32;
	v0 =	vld [tilespmem:$0x1FFF0]  }
0xc4: {  	v58 =	vor.u32 v25, v32;
	v2 =	vld [tilespmem:$0x1FFE0]  }
0xc5: {  	v60 =	vor.u32 v24, v32;
	v40 =	vor.u32 v40, v43;
	v37 =	vor.u32 v37, v51;
	v51 =	vld.idx.msk [tilespmem:v56+s2+$0x0], $0xffff  }
0xc6: {  	v56 =	vor.u32 v42, v54;
	v42 =	vld.idx.msk [tilespmem:v57+s2+$0x0], $0xffff;
	v40 =	vor.u32 v48, v40  }
0xc7: {  	v38 =	vor.u32 v38, v55;
	v55 =	vld.idx.msk [tilespmem:v34+s2+$0x0], $0xffff;
	v40 =	vor.u32 v47, v40;
	v47 =	vor.u32 v22, v32  }
0xc8: {  	s12 =	smov.u32 s11;
	v43 =	vor.u32 v28, v32;
	v61 =	vld.idx.msk [tilespmem:v61+s2+$0x0], $0xffff  }
0xc9: {  	v59 =	vor.u32 v29, v32;
	v57 =	vmov s12;
	v58 =	vld.idx.msk [tilespmem:v58+s2+$0x0], $0xffff;
	v48 =	vor.u32 v30, v32  }
0xca: {  	v60 =	vld.idx.msk [tilespmem:v60+s2+$0x0], $0xffff;
	v37 =	vor.u32 v50, v37;
	v38 =	vor.u32 v44, v38;
	v32 =	vor.u32 v49, v56  }
0xcb: {  	v50 =	vld.idx.msk [tilespmem:v33+s2+$0x0], $0xffff;
	v53 =	vor.u32 v53, v38;
	v56 =	vshll.u32 v57, $0x9;
	v57 =	vshll.u32 v57, $0x7  }
0xcc: {  	v32 =	vor.u32 v45, v32;
	v33 =	vand.u32 $0x3000, v56;
	v38 =	vand.u32 $0x380, v57;
	v47 =	vld.idx.msk [tilespmem:v47+s2+$0x0], $0xffff  }
0xcd: {  	v41 =	vor.u32 v41, v40;
	v39 =	vor.u32 v39, v32;
	v32 =	vor.u32 v38, v33;
	v57 =	vld.idx.msk [tilespmem:v43+s2+$0x0], $0xffff  }
0xce: {  	v33 =	vor.u32 v0, v32;
	v0 =	vor.u32 v36, v41;
	v36 =	vor.u32 v2, v32;
	v2 =	vld [tilespmem:$0x1FFD0]  }
0xcf: {  	v11 =	vmovc v4;
	v40 =	vor.u32 v63, v32;
	v38 =	vor.u32 v4, v32;
	v4 =	vmov v63;
	v63 =	vld.idx.msk [tilespmem:v35+s2+$0x0], $0xffff  }
0xd0: {  	v8 =	vmov v5;
	v54 =	vor.u32 v52, v37;
	v44 =	vld.idx.msk [tilespmem:v48+s2+$0x0], $0xffff  }
0xd1: {  	v56 =	vor.u32 v62, v32;
	v39 =	vor.u32 v46, v39;
	v35 =	vor.u32 v47, v53;
	v47 =	vld.idx.msk [tilespmem:v59+s2+$0x0], $0xffff  }
0xd2: {  	v37 =	vor.u32 v3, v32;
	v43 =	vor.u32 v5, v32;
	v5 =	vmovc v3;
	v54 =	vor.u32 v61, v54  }
0xd3: {  	v3 =	vmovc v62;
	v62 =	vor.u32 v50, v39;
	v54 =	vor.u32 v58, v54;
	v46 =	vor.u32 v2, v32  }
0xd4: {  	v62 =	vor.u32 v63, v62;
	v0 =	vor.u32 v57, v0;
	v2 =	vor.u32 v55, v35  }
0xd5: {  	v0 =	vor.u32 v42, v0;
	v59 =	vor.u32 v16, v32;
	[tilespmem:s9+$0xFFFFFFE0] =	vst v62;
	v2 =	vor.u32 v44, v2  }
0xd6: {  	v1 =	vor.u32 v14, v32;
	[tilespmem:s9+$0xFFFFFFF0] =	vst v0;
	v2 =	vor.u32 v51, v2;
	v58 =	vor.u32 v47, v54  }
0xd7: {  	p0 =	sne.s32 s11, $0x1F;
	v63 =	vor.u32 v9, v32;
	[tilespmem:s9+$0x10] =	vst v2;
	v0 =	vor.u32 v60, v58  }
.Ltmp0:
0xd8: {  	v49 =	vor.u32 v6, v32;
	v45 =	vor.u32 v15, v32;
	v52 =	vor.u32 v17, v32;
	[tilespmem:s9+$0x0] =	vst v0;
	(pc) =	sbr.rel @p0 .LBB2_2-.Ltmp0, $4  }
0xd9: {  	v41 =	vor.u32 v20, v32;
	v34 =	vor.u32 v26, v32;
	v48 =	vor.u32 v12, v32;
	v42 =	vld.idx.msk [tilespmem:v56+s2+$0x0], $0xffff  }
0xda: {  	v39 =	vor.u32 v19, v32;
	v50 =	vor.u32 v13, v32;
	v53 =	vor.u32 v18, v32;
	v47 =	vld.idx.msk [tilespmem:v59+s2+$0x0], $0xffff  }
0xdb: {  	s10 =	sadd.s32 $0x40, s10;
	v61 =	vmovc v7;
	v55 =	vor.u32 v10, v32;
	v35 =	vor.u32 v31, v32;
	v62 =	vmov v3;
	v44 =	vld.idx.msk [tilespmem:v1+s2+$0x0], $0xffff  }
0xdc: {  	s11 =	sadd.s32 $0x1, s11;
	v3 =	vmovc v5;
	v5 =	vmovc v8;
	v54 =	vor.u32 v7, v32;
	s9 =	smov.u32 s10;
	v51 =	vld.idx.msk [tilespmem:v63+s2+$0x0], $0xffff;
	v63 =	vmov v4;
	v4 =	vmov v11  }
0xdd: {  	_ =	sdelay $0x3  }
0xde: {  	v0 =	vld.idx.msk [tilespmem:v55+s2+$0x0], $0xffff  }
0xdf: {  	v1 =	vld.idx.msk [tilespmem:v49+s2+$0x0], $0xffff  }
0xe0: {  	v2 =	vld.idx.msk [tilespmem:v53+s2+$0x0], $0xffff  }
0xe1: {  	v40 =	vld.idx.msk [tilespmem:v40+s2+$0x0], $0xffff  }
0xe2: {  	v48 =	vld.idx.msk [tilespmem:v48+s2+$0x0], $0xffff  }
0xe3: {  	v49 =	vld.idx.msk [tilespmem:v50+s2+$0x0], $0xffff  }
0xe4: {  	v50 =	vld.idx.msk [tilespmem:v52+s2+$0x0], $0xffff  }
0xe5: {  	v43 =	vld.idx.msk [tilespmem:v43+s2+$0x0], $0xffff  }
0xe6: {  	v38 =	vld.idx.msk [tilespmem:v38+s2+$0x0], $0xffff  }
0xe7: {  	v37 =	vld.idx.msk [tilespmem:v37+s2+$0x0], $0xffff  }
0xe8: {  	v52 =	vld.idx.msk [tilespmem:v54+s2+$0x0], $0xffff  }
0xe9: {  	v45 =	vld.idx.msk [tilespmem:v45+s2+$0x0], $0xffff  }
0xea: {  	v39 =	vld.idx.msk [tilespmem:v39+s2+$0x0], $0xffff  }
0xeb: {  	v41 =	vld.idx.msk [tilespmem:v41+s2+$0x0], $0xffff  }
0xec: {  	v53 =	vor.u32 v27, v32;
	v46 =	vld.idx.msk [tilespmem:v46+s2+$0x0], $0xffff  }
0xed: {  	v54 =	vor.u32 v23, v32;
	v33 =	vld.idx.msk [tilespmem:v33+s2+$0x0], $0xffff  }
0xee: {  	v60 =	vor.u32 v30, v32;
	v36 =	vld.idx.msk [tilespmem:v36+s2+$0x0], $0xffff  }
0xef: {  	v56 =	vor.u32 v22, v32;
	v34 =	vld.idx.msk [tilespmem:v34+s2+$0x0], $0xffff  }
0xf0: {  	v57 =	vor.u32 v28, v32;
	v35 =	vld.idx.msk [tilespmem:v35+s2+$0x0], $0xffff  }
0xf1: {  	v58 =	vor.u32 v21, v32;
	v53 =	vld.idx.msk [tilespmem:v53+s2+$0x0], $0xffff  }
0xf2: {  	v59 =	vor.u32 v25, v32;
	v54 =	vld.idx.msk [tilespmem:v54+s2+$0x0], $0xffff  }
0xf3: {  	v55 =	vld.idx.msk [tilespmem:v60+s2+$0x0], $0xffff;
	v60 =	vor.u32 v29, v32  }
0xf4: {  	v56 =	vld.idx.msk [tilespmem:v56+s2+$0x0], $0xffff;
	v40 =	vor.u32 v40, v43;
	v29 =	vor.u32 v24, v32  }
0xf5: {  	v57 =	vld.idx.msk [tilespmem:v57+s2+$0x0], $0xffff;
	v37 =	vor.u32 v37, v51;
	v30 =	vor.u32 v48, v40;
	v48 =	vor.u32 v42, v52  }
0xf6: {  	v0 =	vor.u32 v38, v0;
	v52 =	vld.idx.msk [tilespmem:v58+s2+$0x0], $0xffff;
	v37 =	vor.u32 v49, v37;
	v1 =	vor.u32 v1, v48  }
0xf7: {  	v0 =	vor.u32 v44, v0;
	v58 =	vld.idx.msk [tilespmem:v59+s2+$0x0], $0xffff;
	v38 =	vor.u32 v47, v30;
	v1 =	vor.u32 v45, v1  }
0xf8: {  	v0 =	vor.u32 v2, v0;
	v2 =	vor.u32 v50, v37;
	v1 =	vor.u32 v39, v1;
	v59 =	vld.idx.msk [tilespmem:v60+s2+$0x0], $0xffff  }
0xf9: {  	v38 =	vor.u32 v41, v38;
	v1 =	vor.u32 v46, v1;
	v0 =	vor.u32 v56, v0;
	v32 =	vld.idx.msk [tilespmem:v29+s2+$0x0], $0xffff  }
0xfa: {  	v60 =	vor.u32 v36, v38;
	v1 =	vor.u32 v33, v1;
	v0 =	vor.u32 v34, v0  }
0xfb: {  	v2 =	vor.u32 v52, v2;
	v33 =	vor.u32 v57, v60;
	v1 =	vor.u32 v35, v1  }
0xfc: {  	v0 =	vor.u32 v55, v0;
	[tilespmem:s9+$0xFFFFFFE0] =	vst v1;
	v1 =	vor.u32 v58, v2;
	v2 =	vor.u32 v54, v33  }
0xfd: {  	v0 =	vor.u32 v53, v0;
	[tilespmem:s9+$0xFFFFFFF0] =	vst v2;
	v1 =	vor.u32 v59, v1  }
0xfe: {  	s8 =	sadd.s32 $0x1, s8;
	[tilespmem:s9+$0x10] =	vst v0;
	v1 =	vor.u32 v32, v1  }
0xff: {  	p0 =	sne.s32 s8, s5;
	[tilespmem:s9+$0x0] =	vst v1  }
0x100: {  	[hbm4b:s4+s2] =	stream.linear.scatter [tilespmem:s7], [sflag:$0x1], $0x800, $0x38;
	[tilespmem:$0x4800] =	vst v63  }
.Ltmp1:
0x101: {  	_ = 	snop;
	(pc) =	sbr.rel @p0 .LBB2_1-.Ltmp1, $4  }
0x102: {  	_ =	swait.ge [sflag:s6], $0x800  }
0x103: {  	v7 =	vmovc v13;
	v8 =	vmovc v14;
	v11 =	vmov v17;
	v0 =	vmov v9;
	v9 =	vmov v15;
	v15 =	vld [tilespmem:$0x1FFD0]  }
0x104: {  	v13 =	vmovc v19;
	v14 =	vmovc v20;
	v21 =	vmov v25;
	v1 =	vmov v10;
	v10 =	vmov v16;
	[sflag:s6] =	ssyncset.done $0x0;
	v16 =	vld [tilespmem:$0x1FFE0]  }
0x105: {  	v17 =	vmovc v26;
	v22 =	vmovc v28;
	v19 =	vmov v31;
	v2 =	vmov v12;
	v12 =	vmov v18;
	v18 =	vld [tilespmem:$0x1FFF0];
	[sflag:s6] =	ssyncadd.s32 $0xFFFFF800  }
0x106: {  	_ =	sfence.sel $0x180000  }
0x107: {  	[bflag:$0x0] =	sbarrier.arrive $0xFFFF  }
0x108: {  	p0 =	sne.s32 s1, $0x0;
	_ =	strace $0x90000047  }
0x109: {  	s0 =	sadd.s32 @!p0 $0x100000, s0;
	[bflag:$0x2] =	sbarrier.arrive $0xFFFF  }
0x10a: {  	[sflag:s0] =	ssyncadd.tile.s32 @!p0 $0x1;
	_ =	shalt  }
.Lfunc_end2:
_tile_overlayer_lowered:
.L_overlay_start_2:
0x10b: {  	(tag) =	ssettag $0x2  }
0x10c: {  	s0 =	rddreg [dreg:$0x0];
	s2 =	stileid.u32  }
0x10d: {  	s1 =	rddreg [dreg:$0x1];
	p0 =	sne.s32 s2, $0x0  }
0x10e: {  	s3 =	rddreg [dreg:$0x2];
	[bflag:$0x3] =	sbarrier.arrive $0xFFFF;
	s2 =	simm.s32 @!p0 $0x1C01  }
0x10f: {  	[timem:s3], [sflag:s2] =	dma.local @!p0 [hbm:s0], s1  }
0x110: {  	s0 =	simm.s32 @!p0 $0x1  }
0x111: {  	_ =	swait.ge @!p0 [sflag:s0], s1  }
0x112: {  	s1 =	ssub.s32 @!p0 $0x0, s1;
	[sflag:s0] =	ssyncset.done @!p0 $0x0  }
0x113: {  	[sflag:s0] =	ssyncadd.s32 @!p0 s1  }
0x114: {  	[bflag:$0x3] =	sbarrier.arrive $0xFFFF  }
0x115: {  	_ =	shalt  }

</sc_bundles>
